<compile_context>
chip_gen: v7x
topology: tpu7x:2x2x1
jax: 0.10.2.dev20260603
libtpu: 0.0.44.dev20260713+nightly
codegen_flags: <defaults>
</compile_context>

<pallas_src>
import jax
import jax.numpy as jnp
from jax.experimental import pallas as pl


def _conv2d(x, w, b, stride, pad):
    y = jax.lax.conv_general_dilated(
        x, w, (stride, stride), ((pad, pad), (pad, pad)),
        dimension_numbers=('NCHW', 'OIHW', 'NCHW'))
    return y + b[None, :, None, None]


def _conv_transpose2d(x, w, b, stride, pad):
    k = w.shape[2]
    w2 = jnp.transpose(w[:, :, ::-1, ::-1], (1, 0, 2, 3))
    B, C, H, W = x.shape
    xd = jnp.zeros((B, C, (H - 1) * stride + 1, (W - 1) * stride + 1), dtype=x.dtype)
    xd = xd.at[:, :, ::stride, ::stride].set(x)
    y = jax.lax.conv_general_dilated(
        xd, w2, (1, 1),
        ((k - 1 - pad, k - 1 - pad), (k - 1 - pad, k - 1 - pad)),
        dimension_numbers=('NCHW', 'OIHW', 'NCHW'))
    return y + b[None, :, None, None]


def _batch_norm(x, g, b, eps=1e-5):
    mean = jnp.mean(x, axis=(0, 2, 3), keepdims=True)
    var = jnp.var(x, axis=(0, 2, 3), keepdims=True)
    return (x - mean) / jnp.sqrt(var + eps) * g[None, :, None, None] + b[None, :, None, None]


def _latent_kernel(c2_ref, g_ref, b_ref, prew_ref, preb_ref, cb_ref,
                   postw_ref, postb_ref, z_ref, loss_ref):
    hs = []
    for c in range(4):
        ch = c2_ref[:, c, :, :]
        m = jnp.mean(ch)
        v = jnp.mean((ch - m) ** 2)
        inv = jax.lax.rsqrt(v + 1e-5)
        hn = (ch - m) * (inv * g_ref[0, c]) + b_ref[0, c]
        hs.append(jnp.maximum(hn, 0.0))
    q = []
    for o in range(2):
        s = hs[0] * prew_ref[o, 0]
        for c in range(1, 4):
            s = s + hs[c] * prew_ref[o, c]
        q.append(s + preb_ref[0, o])
    q0, q1 = q
    d0 = (q0 - cb_ref[0, 0]) ** 2 + (q1 - cb_ref[0, 1]) ** 2
    d1 = (q0 - cb_ref[1, 0]) ** 2 + (q1 - cb_ref[1, 1]) ** 2
    d2 = (q0 - cb_ref[2, 0]) ** 2 + (q1 - cb_ref[2, 1]) ** 2
    m01 = d0 <= d1
    dmin01 = jnp.where(m01, d0, d1)
    take2 = d2 < dmin01
    e0 = jnp.where(take2, cb_ref[2, 0], jnp.where(m01, cb_ref[0, 0], cb_ref[1, 0]))
    e1 = jnp.where(take2, cb_ref[2, 1], jnp.where(m01, cb_ref[0, 1], cb_ref[1, 1]))
    se = (e0 - q0) ** 2 + (e1 - q1) ** 2
    loss = 1.2 * 0.5 * jnp.mean(se)
    loss_ref[...] = jnp.full((8, 128), loss, dtype=jnp.float32)
    for o in range(4):
        z_ref[:, o, :, :] = (e0 * postw_ref[o, 0] + e1 * postw_ref[o, 1]
                             + postb_ref[0, o])


def kernel(x, enc_w1, enc_b1, bn1_g, bn1_b, enc_w2, enc_b2, bn2_g, bn2_b,
           pre_w, pre_b, codebook, post_w, post_b,
           dec_w1, dec_b1, bn3_g, bn3_b, dec_w2, dec_b2):
    h = jax.nn.relu(_batch_norm(_conv2d(x, enc_w1, enc_b1, 2, 1), bn1_g, bn1_b))
    c2 = _conv2d(h, enc_w2, enc_b2, 2, 1)
    z, lossbuf = pl.pallas_call(
        _latent_kernel,
        out_shape=[jax.ShapeDtypeStruct((16, 4, 128, 128), jnp.float32),
                   jax.ShapeDtypeStruct((8, 128), jnp.float32)],
    )(c2,
      bn2_g.reshape(1, 4), bn2_b.reshape(1, 4),
      pre_w.reshape(2, 4), pre_b.reshape(1, 2),
      codebook,
      post_w.reshape(4, 2), post_b.reshape(1, 4))
    quantize_loss = lossbuf[0, 0]
    d = jax.nn.relu(_batch_norm(_conv_transpose2d(z, dec_w1, dec_b1, 2, 1),
                                bn3_g, bn3_b))
    out = jnp.tanh(_conv_transpose2d(d, dec_w2, dec_b2, 2, 1))
    return (out, quantize_loss)

# --- scband reference (transcript-rebuilt; emitter-appended) ---
"""Pipeline reference for scband-vqvae-22926535426160 (READ-ONLY COPY).

The authoritative reference and input builder live on the scoring server;
editing this copy changes nothing except your own understanding.
"""

import jax, jax.numpy as jnp
import numpy as np


def conv2d(x, w, b, stride, pad):
    y = jax.lax.conv_general_dilated(x, w, (stride, stride), ((pad, pad), (pad, pad)),
                                     dimension_numbers=('NCHW', 'OIHW', 'NCHW'))
    return y + b[None, :, None, None]


def conv_transpose2d(x, w, b, stride, pad):
    # w in torch ConvTranspose2d layout: [C_in, C_out, kH, kW]
    k = w.shape[2]
    w2 = jnp.transpose(w[:, :, ::-1, ::-1], (1, 0, 2, 3))
    B, C, H, W = x.shape
    xd = jnp.zeros((B, C, (H - 1) * stride + 1, (W - 1) * stride + 1), dtype=x.dtype)
    xd = xd.at[:, :, ::stride, ::stride].set(x)
    y = jax.lax.conv_general_dilated(xd, w2, (1, 1),
                                     ((k - 1 - pad, k - 1 - pad), (k - 1 - pad, k - 1 - pad)),
                                     dimension_numbers=('NCHW', 'OIHW', 'NCHW'))
    return y + b[None, :, None, None]


def batch_norm(x, g, b, eps=1e-5):
    mean = jnp.mean(x, axis=(0, 2, 3), keepdims=True)
    var = jnp.var(x, axis=(0, 2, 3), keepdims=True)
    return (x - mean) / jnp.sqrt(var + eps) * g[None, :, None, None] + b[None, :, None, None]


def setup_inputs(seed: int = 0) -> dict:
    key = jax.random.key(seed)
    ks = [jax.random.fold_in(key, i) for i in range(16)]
    inp = {}
    inp['x'] = jax.random.normal(ks[0], (16, 3, 512, 512), dtype=jnp.float32)
    # Encoder params
    inp['enc_w1'] = jax.random.normal(ks[1], (16, 3, 4, 4), dtype=jnp.float32) * 0.05
    inp['enc_b1'] = jnp.zeros((16,), dtype=jnp.float32)
    inp['bn1_g'] = jnp.ones((16,), dtype=jnp.float32)
    inp['bn1_b'] = jnp.zeros((16,), dtype=jnp.float32)
    inp['enc_w2'] = jax.random.normal(ks[2], (4, 16, 4, 4), dtype=jnp.float32) * 0.05
    inp['enc_b2'] = jnp.zeros((4,), dtype=jnp.float32)
    inp['bn2_g'] = jnp.ones((4,), dtype=jnp.float32)
    inp['bn2_b'] = jnp.zeros((4,), dtype=jnp.float32)
    # VQ latent params
    inp['pre_w'] = jax.random.normal(ks[3], (2, 4, 1, 1), dtype=jnp.float32) * 0.1
    inp['pre_b'] = jnp.zeros((2,), dtype=jnp.float32)
    inp['codebook'] = jax.random.normal(ks[4], (3, 2), dtype=jnp.float32)
    inp['post_w'] = jax.random.normal(ks[5], (4, 2, 1, 1), dtype=jnp.float32) * 0.1
    inp['post_b'] = jnp.zeros((4,), dtype=jnp.float32)
    # Decoder params (ConvTranspose2d weight layout: [C_in, C_out, kH, kW])
    inp['dec_w1'] = jax.random.normal(ks[6], (4, 16, 4, 4), dtype=jnp.float32) * 0.05
    inp['dec_b1'] = jnp.zeros((16,), dtype=jnp.float32)
    inp['bn3_g'] = jnp.ones((16,), dtype=jnp.float32)
    inp['bn3_b'] = jnp.zeros((16,), dtype=jnp.float32)
    inp['dec_w2'] = jax.random.normal(ks[7], (16, 3, 4, 4), dtype=jnp.float32) * 0.05
    inp['dec_b2'] = jnp.zeros((3,), dtype=jnp.float32)
    return inp


def reference(x, enc_w1, enc_b1, bn1_g, bn1_b, enc_w2, enc_b2, bn2_g, bn2_b,
              pre_w, pre_b, codebook, post_w, post_b,
              dec_w1, dec_b1, bn3_g, bn3_b, dec_w2, dec_b2):
    # Encoder
    h = jax.nn.relu(batch_norm(conv2d(x, enc_w1, enc_b1, 2, 1), bn1_g, bn1_b))
    h = jax.nn.relu(batch_norm(conv2d(h, enc_w2, enc_b2, 2, 1), bn2_g, bn2_b))
    # VQ latent space
    quant_input = conv2d(h, pre_w, pre_b, 1, 0)
    B, C, H, W = quant_input.shape
    qi = jnp.transpose(quant_input, (0, 2, 3, 1)).reshape(B, -1, C)
    # cdist (p=2) against codebook, per batch
    diff = qi[:, :, None, :] - codebook[None, None, :, :]
    dist = jnp.sqrt(jnp.sum(diff * diff, axis=-1))
    min_encoding_idxs = jnp.argmin(dist, axis=2)
    quant_out = jnp.take(codebook, min_encoding_idxs.reshape(-1), axis=0)
    qi_flat = qi.reshape(-1, C)
    commitment_loss = jnp.mean((jax.lax.stop_gradient(quant_out) - qi_flat) ** 2)
    codebook_loss = jnp.mean((quant_out - jax.lax.stop_gradient(qi_flat)) ** 2)
    quantize_loss = codebook_loss + 0.2 * commitment_loss
    # straight-through estimator
    quant_out = qi_flat + jax.lax.stop_gradient(quant_out - qi_flat)
    quant_out = jnp.transpose(quant_out.reshape(B, H, W, C), (0, 3, 1, 2))
    z = conv2d(quant_out, post_w, post_b, 1, 0)
    # Decoder
    d = jax.nn.relu(batch_norm(conv_transpose2d(z, dec_w1, dec_b1, 2, 1), bn3_g, bn3_b))
    out = jnp.tanh(conv_transpose2d(d, dec_w2, dec_b2, 2, 1))
    return (out, quantize_loss)

if __name__ == "__main__":
    import jax
    _d = setup_inputs()
    print(jax.jit(kernel)(*tuple(_d.values())))

</pallas_src>

<mosaic_0001>
module attributes {stable_mosaic.version = 14 : i64} {
  func.func @_latent_kernel(%arg0: memref<16x4x128x128xf32, #tpu.memory_space<vmem>>, %arg1: memref<1x4xf32, #tpu.memory_space<vmem>>, %arg2: memref<1x4xf32, #tpu.memory_space<vmem>>, %arg3: memref<2x4xf32, #tpu.memory_space<vmem>>, %arg4: memref<1x2xf32, #tpu.memory_space<vmem>>, %arg5: memref<3x2xf32, #tpu.memory_space<vmem>>, %arg6: memref<4x2xf32, #tpu.memory_space<vmem>>, %arg7: memref<1x4xf32, #tpu.memory_space<vmem>>, %arg8: memref<16x4x128x128xf32, #tpu.memory_space<vmem>>, %arg9: memref<8x128xf32, #tpu.memory_space<vmem>>) attributes {dimension_semantics = [], scalar_prefetch = 0 : i64, scratch_operands = 0 : i64, tpu.core_type = #tpu.core_type<tc>} {
    %get3A = arith.constant 0 : index
    %get3A_0 = arith.constant 0 : index
    %get3A_1 = arith.constant 0 : index
    %get3A_2 = arith.constant 0 : index
    %get3A_3 = vector.load %arg0[%get3A, %get3A_0, %get3A_1, %get3A_2] : memref<16x4x128x128xf32, #tpu.memory_space<vmem>>, vector<16x1x128x128xf32>
    %get3A_4 = vector.shape_cast %get3A_3 : vector<16x1x128x128xf32> to vector<16x128x128xf32>
    %reduce_sum3A = vector.shape_cast %get3A_4 : vector<16x128x128xf32> to vector<1x16x128x128xf32>
    %reduce_sum3A_5 = arith.constant dense<0.000000e+00> : vector<1xf32>
    %reduce_sum3A_6 = vector.multi_reduction <add>, %reduce_sum3A, %reduce_sum3A_5 [1, 2, 3] : vector<1x16x128x128xf32> to vector<1xf32>
    %reduce_sum3A_7 = vector.shape_cast %reduce_sum3A_6 : vector<1xf32> to vector<1x1x1x1xf32>
    %reduce_sum3A_8 = vector.extract %reduce_sum3A_7[0, 0, 0, 0] : f32 from vector<1x1x1x1xf32>
    %div3A = arith.constant 2.621440e+05 : f32
    %div3A_9 = arith.divf %reduce_sum3A_8, %div3A : f32
    %sub3A = vector.broadcast %div3A_9 : f32 to vector<16x128x128xf32>
    %sub3A_10 = arith.subf %get3A_4, %sub3A : vector<16x128x128xf32>
    %integer_pow3A = arith.mulf %sub3A_10, %sub3A_10 : vector<16x128x128xf32>
    %reduce_sum3A_11 = vector.shape_cast %integer_pow3A : vector<16x128x128xf32> to vector<1x16x128x128xf32>
    %reduce_sum3A_12 = arith.constant dense<0.000000e+00> : vector<1xf32>
    %reduce_sum3A_13 = vector.multi_reduction <add>, %reduce_sum3A_11, %reduce_sum3A_12 [1, 2, 3] : vector<1x16x128x128xf32> to vector<1xf32>
    %reduce_sum3A_14 = vector.shape_cast %reduce_sum3A_13 : vector<1xf32> to vector<1x1x1x1xf32>
    %reduce_sum3A_15 = vector.extract %reduce_sum3A_14[0, 0, 0, 0] : f32 from vector<1x1x1x1xf32>
    %div3A_16 = arith.constant 2.621440e+05 : f32
    %div3A_17 = arith.divf %reduce_sum3A_15, %div3A_16 : f32
    %add3A = arith.constant 9.99999974E-6 : f32
    %add3A_18 = arith.addf %div3A_17, %add3A : f32
    %rsqrt3A = math.rsqrt %add3A_18 : f32
    %sub3A_19 = vector.broadcast %div3A_9 : f32 to vector<16x128x128xf32>
    %sub3A_20 = arith.subf %get3A_4, %sub3A_19 : vector<16x128x128xf32>
    %get3A_21 = arith.constant 0 : index
    %get3A_22 = arith.constant 0 : index
    %get3A_23 = vector.load %arg1[%get3A_21, %get3A_22] : memref<1x4xf32, #tpu.memory_space<vmem>>, vector<1x1xf32>
    %get3A_24 = vector.extract %get3A_23[0, 0] : f32 from vector<1x1xf32>
    %mul3A = arith.mulf %rsqrt3A, %get3A_24 : f32
    %mul3A_25 = vector.broadcast %mul3A : f32 to vector<16x128x128xf32>
    %mul3A_26 = arith.mulf %sub3A_20, %mul3A_25 : vector<16x128x128xf32>
    %get3A_27 = arith.constant 0 : index
    %get3A_28 = arith.constant 0 : index
    %get3A_29 = vector.load %arg2[%get3A_27, %get3A_28] : memref<1x4xf32, #tpu.memory_space<vmem>>, vector<1x1xf32>
    %get3A_30 = vector.extract %get3A_29[0, 0] : f32 from vector<1x1xf32>
    %add3A_31 = vector.broadcast %get3A_30 : f32 to vector<16x128x128xf32>
    %add3A_32 = arith.addf %mul3A_26, %add3A_31 : vector<16x128x128xf32>
    %max3A = arith.constant 0.000000e+00 : f32
    %max3A_33 = vector.broadcast %max3A : f32 to vector<16x128x128xf32>
    %max3A_34 = arith.maximumf %add3A_32, %max3A_33 : vector<16x128x128xf32>
    %get3A_35 = arith.constant 0 : index
    %get3A_36 = arith.constant 1 : index
    %get3A_37 = arith.constant 0 : index
    %get3A_38 = arith.constant 0 : index
    %get3A_39 = vector.load %arg0[%get3A_35, %get3A_36, %get3A_37, %get3A_38] : memref<16x4x128x128xf32, #tpu.memory_space<vmem>>, vector<16x1x128x128xf32>
    %get3A_40 = vector.shape_cast %get3A_39 : vector<16x1x128x128xf32> to vector<16x128x128xf32>
    %reduce_sum3A_41 = vector.shape_cast %get3A_40 : vector<16x128x128xf32> to vector<1x16x128x128xf32>
    %reduce_sum3A_42 = arith.constant dense<0.000000e+00> : vector<1xf32>
    %reduce_sum3A_43 = vector.multi_reduction <add>, %reduce_sum3A_41, %reduce_sum3A_42 [1, 2, 3] : vector<1x16x128x128xf32> to vector<1xf32>
    %reduce_sum3A_44 = vector.shape_cast %reduce_sum3A_43 : vector<1xf32> to vector<1x1x1x1xf32>
    %reduce_sum3A_45 = vector.extract %reduce_sum3A_44[0, 0, 0, 0] : f32 from vector<1x1x1x1xf32>
    %div3A_46 = arith.constant 2.621440e+05 : f32
    %div3A_47 = arith.divf %reduce_sum3A_45, %div3A_46 : f32
    %sub3A_48 = vector.broadcast %div3A_47 : f32 to vector<16x128x128xf32>
    %sub3A_49 = arith.subf %get3A_40, %sub3A_48 : vector<16x128x128xf32>
    %integer_pow3A_50 = arith.mulf %sub3A_49, %sub3A_49 : vector<16x128x128xf32>
    %reduce_sum3A_51 = vector.shape_cast %integer_pow3A_50 : vector<16x128x128xf32> to vector<1x16x128x128xf32>
    %reduce_sum3A_52 = arith.constant dense<0.000000e+00> : vector<1xf32>
    %reduce_sum3A_53 = vector.multi_reduction <add>, %reduce_sum3A_51, %reduce_sum3A_52 [1, 2, 3] : vector<1x16x128x128xf32> to vector<1xf32>
    %reduce_sum3A_54 = vector.shape_cast %reduce_sum3A_53 : vector<1xf32> to vector<1x1x1x1xf32>
    %reduce_sum3A_55 = vector.extract %reduce_sum3A_54[0, 0, 0, 0] : f32 from vector<1x1x1x1xf32>
    %div3A_56 = arith.constant 2.621440e+05 : f32
    %div3A_57 = arith.divf %reduce_sum3A_55, %div3A_56 : f32
    %add3A_58 = arith.constant 9.99999974E-6 : f32
    %add3A_59 = arith.addf %div3A_57, %add3A_58 : f32
    %rsqrt3A_60 = math.rsqrt %add3A_59 : f32
    %sub3A_61 = vector.broadcast %div3A_47 : f32 to vector<16x128x128xf32>
    %sub3A_62 = arith.subf %get3A_40, %sub3A_61 : vector<16x128x128xf32>
    %get3A_63 = arith.constant 0 : index
    %get3A_64 = arith.constant 1 : index
    %get3A_65 = vector.load %arg1[%get3A_63, %get3A_64] : memref<1x4xf32, #tpu.memory_space<vmem>>, vector<1x1xf32>
    %get3A_66 = vector.extract %get3A_65[0, 0] : f32 from vector<1x1xf32>
    %mul3A_67 = arith.mulf %rsqrt3A_60, %get3A_66 : f32
    %mul3A_68 = vector.broadcast %mul3A_67 : f32 to vector<16x128x128xf32>
    %mul3A_69 = arith.mulf %sub3A_62, %mul3A_68 : vector<16x128x128xf32>
    %get3A_70 = arith.constant 0 : index
    %get3A_71 = arith.constant 1 : index
    %get3A_72 = vector.load %arg2[%get3A_70, %get3A_71] : memref<1x4xf32, #tpu.memory_space<vmem>>, vector<1x1xf32>
    %get3A_73 = vector.extract %get3A_72[0, 0] : f32 from vector<1x1xf32>
    %add3A_74 = vector.broadcast %get3A_73 : f32 to vector<16x128x128xf32>
    %add3A_75 = arith.addf %mul3A_69, %add3A_74 : vector<16x128x128xf32>
    %max3A_76 = arith.constant 0.000000e+00 : f32
    %max3A_77 = vector.broadcast %max3A_76 : f32 to vector<16x128x128xf32>
    %max3A_78 = arith.maximumf %add3A_75, %max3A_77 : vector<16x128x128xf32>
    %get3A_79 = arith.constant 0 : index
    %get3A_80 = arith.constant 2 : index
    %get3A_81 = arith.constant 0 : index
    %get3A_82 = arith.constant 0 : index
    %get3A_83 = vector.load %arg0[%get3A_79, %get3A_80, %get3A_81, %get3A_82] : memref<16x4x128x128xf32, #tpu.memory_space<vmem>>, vector<16x1x128x128xf32>
    %get3A_84 = vector.shape_cast %get3A_83 : vector<16x1x128x128xf32> to vector<16x128x128xf32>
    %reduce_sum3A_85 = vector.shape_cast %get3A_84 : vector<16x128x128xf32> to vector<1x16x128x128xf32>
    %reduce_sum3A_86 = arith.constant dense<0.000000e+00> : vector<1xf32>
    %reduce_sum3A_87 = vector.multi_reduction <add>, %reduce_sum3A_85, %reduce_sum3A_86 [1, 2, 3] : vector<1x16x128x128xf32> to vector<1xf32>
    %reduce_sum3A_88 = vector.shape_cast %reduce_sum3A_87 : vector<1xf32> to vector<1x1x1x1xf32>
    %reduce_sum3A_89 = vector.extract %reduce_sum3A_88[0, 0, 0, 0] : f32 from vector<1x1x1x1xf32>
    %div3A_90 = arith.constant 2.621440e+05 : f32
    %div3A_91 = arith.divf %reduce_sum3A_89, %div3A_90 : f32
    %sub3A_92 = vector.broadcast %div3A_91 : f32 to vector<16x128x128xf32>
    %sub3A_93 = arith.subf %get3A_84, %sub3A_92 : vector<16x128x128xf32>
    %integer_pow3A_94 = arith.mulf %sub3A_93, %sub3A_93 : vector<16x128x128xf32>
    %reduce_sum3A_95 = vector.shape_cast %integer_pow3A_94 : vector<16x128x128xf32> to vector<1x16x128x128xf32>
    %reduce_sum3A_96 = arith.constant dense<0.000000e+00> : vector<1xf32>
    %reduce_sum3A_97 = vector.multi_reduction <add>, %reduce_sum3A_95, %reduce_sum3A_96 [1, 2, 3] : vector<1x16x128x128xf32> to vector<1xf32>
    %reduce_sum3A_98 = vector.shape_cast %reduce_sum3A_97 : vector<1xf32> to vector<1x1x1x1xf32>
    %reduce_sum3A_99 = vector.extract %reduce_sum3A_98[0, 0, 0, 0] : f32 from vector<1x1x1x1xf32>
    %div3A_100 = arith.constant 2.621440e+05 : f32
    %div3A_101 = arith.divf %reduce_sum3A_99, %div3A_100 : f32
    %add3A_102 = arith.constant 9.99999974E-6 : f32
    %add3A_103 = arith.addf %div3A_101, %add3A_102 : f32
    %rsqrt3A_104 = math.rsqrt %add3A_103 : f32
    %sub3A_105 = vector.broadcast %div3A_91 : f32 to vector<16x128x128xf32>
    %sub3A_106 = arith.subf %get3A_84, %sub3A_105 : vector<16x128x128xf32>
    %get3A_107 = arith.constant 0 : index
    %get3A_108 = arith.constant 2 : index
    %get3A_109 = vector.load %arg1[%get3A_107, %get3A_108] : memref<1x4xf32, #tpu.memory_space<vmem>>, vector<1x1xf32>
    %get3A_110 = vector.extract %get3A_109[0, 0] : f32 from vector<1x1xf32>
    %mul3A_111 = arith.mulf %rsqrt3A_104, %get3A_110 : f32
    %mul3A_112 = vector.broadcast %mul3A_111 : f32 to vector<16x128x128xf32>
    %mul3A_113 = arith.mulf %sub3A_106, %mul3A_112 : vector<16x128x128xf32>
    %get3A_114 = arith.constant 0 : index
    %get3A_115 = arith.constant 2 : index
    %get3A_116 = vector.load %arg2[%get3A_114, %get3A_115] : memref<1x4xf32, #tpu.memory_space<vmem>>, vector<1x1xf32>
    %get3A_117 = vector.extract %get3A_116[0, 0] : f32 from vector<1x1xf32>
    %add3A_118 = vector.broadcast %get3A_117 : f32 to vector<16x128x128xf32>
    %add3A_119 = arith.addf %mul3A_113, %add3A_118 : vector<16x128x128xf32>
    %max3A_120 = arith.constant 0.000000e+00 : f32
    %max3A_121 = vector.broadcast %max3A_120 : f32 to vector<16x128x128xf32>
    %max3A_122 = arith.maximumf %add3A_119, %max3A_121 : vector<16x128x128xf32>
    %get3A_123 = arith.constant 0 : index
    %get3A_124 = arith.constant 3 : index
    %get3A_125 = arith.constant 0 : index
    %get3A_126 = arith.constant 0 : index
    %get3A_127 = vector.load %arg0[%get3A_123, %get3A_124, %get3A_125, %get3A_126] : memref<16x4x128x128xf32, #tpu.memory_space<vmem>>, vector<16x1x128x128xf32>
    %get3A_128 = vector.shape_cast %get3A_127 : vector<16x1x128x128xf32> to vector<16x128x128xf32>
    %reduce_sum3A_129 = vector.shape_cast %get3A_128 : vector<16x128x128xf32> to vector<1x16x128x128xf32>
    %reduce_sum3A_130 = arith.constant dense<0.000000e+00> : vector<1xf32>
    %reduce_sum3A_131 = vector.multi_reduction <add>, %reduce_sum3A_129, %reduce_sum3A_130 [1, 2, 3] : vector<1x16x128x128xf32> to vector<1xf32>
    %reduce_sum3A_132 = vector.shape_cast %reduce_sum3A_131 : vector<1xf32> to vector<1x1x1x1xf32>
    %reduce_sum3A_133 = vector.extract %reduce_sum3A_132[0, 0, 0, 0] : f32 from vector<1x1x1x1xf32>
    %div3A_134 = arith.constant 2.621440e+05 : f32
    %div3A_135 = arith.divf %reduce_sum3A_133, %div3A_134 : f32
    %sub3A_136 = vector.broadcast %div3A_135 : f32 to vector<16x128x128xf32>
    %sub3A_137 = arith.subf %get3A_128, %sub3A_136 : vector<16x128x128xf32>
    %integer_pow3A_138 = arith.mulf %sub3A_137, %sub3A_137 : vector<16x128x128xf32>
    %reduce_sum3A_139 = vector.shape_cast %integer_pow3A_138 : vector<16x128x128xf32> to vector<1x16x128x128xf32>
    %reduce_sum3A_140 = arith.constant dense<0.000000e+00> : vector<1xf32>
    %reduce_sum3A_141 = vector.multi_reduction <add>, %reduce_sum3A_139, %reduce_sum3A_140 [1, 2, 3] : vector<1x16x128x128xf32> to vector<1xf32>
    %reduce_sum3A_142 = vector.shape_cast %reduce_sum3A_141 : vector<1xf32> to vector<1x1x1x1xf32>
    %reduce_sum3A_143 = vector.extract %reduce_sum3A_142[0, 0, 0, 0] : f32 from vector<1x1x1x1xf32>
    %div3A_144 = arith.constant 2.621440e+05 : f32
    %div3A_145 = arith.divf %reduce_sum3A_143, %div3A_144 : f32
    %add3A_146 = arith.constant 9.99999974E-6 : f32
    %add3A_147 = arith.addf %div3A_145, %add3A_146 : f32
    %rsqrt3A_148 = math.rsqrt %add3A_147 : f32
    %sub3A_149 = vector.broadcast %div3A_135 : f32 to vector<16x128x128xf32>
    %sub3A_150 = arith.subf %get3A_128, %sub3A_149 : vector<16x128x128xf32>
    %get3A_151 = arith.constant 0 : index
    %get3A_152 = arith.constant 3 : index
    %get3A_153 = vector.load %arg1[%get3A_151, %get3A_152] : memref<1x4xf32, #tpu.memory_space<vmem>>, vector<1x1xf32>
    %get3A_154 = vector.extract %get3A_153[0, 0] : f32 from vector<1x1xf32>
    %mul3A_155 = arith.mulf %rsqrt3A_148, %get3A_154 : f32
    %mul3A_156 = vector.broadcast %mul3A_155 : f32 to vector<16x128x128xf32>
    %mul3A_157 = arith.mulf %sub3A_150, %mul3A_156 : vector<16x128x128xf32>
    %get3A_158 = arith.constant 0 : index
    %get3A_159 = arith.constant 3 : index
    %get3A_160 = vector.load %arg2[%get3A_158, %get3A_159] : memref<1x4xf32, #tpu.memory_space<vmem>>, vector<1x1xf32>
    %get3A_161 = vector.extract %get3A_160[0, 0] : f32 from vector<1x1xf32>
    %add3A_162 = vector.broadcast %get3A_161 : f32 to vector<16x128x128xf32>
    %add3A_163 = arith.addf %mul3A_157, %add3A_162 : vector<16x128x128xf32>
    %max3A_164 = arith.constant 0.000000e+00 : f32
    %max3A_165 = vector.broadcast %max3A_164 : f32 to vector<16x128x128xf32>
    %max3A_166 = arith.maximumf %add3A_163, %max3A_165 : vector<16x128x128xf32>
    %get3A_167 = arith.constant 0 : index
    %get3A_168 = arith.constant 0 : index
    %get3A_169 = vector.load %arg3[%get3A_167, %get3A_168] : memref<2x4xf32, #tpu.memory_space<vmem>>, vector<1x1xf32>
    %get3A_170 = vector.extract %get3A_169[0, 0] : f32 from vector<1x1xf32>
    %mul3A_171 = vector.broadcast %get3A_170 : f32 to vector<16x128x128xf32>
    %mul3A_172 = arith.mulf %max3A_34, %mul3A_171 : vector<16x128x128xf32>
    %get3A_173 = arith.constant 0 : index
    %get3A_174 = arith.constant 1 : index
    %get3A_175 = vector.load %arg3[%get3A_173, %get3A_174] : memref<2x4xf32, #tpu.memory_space<vmem>>, vector<1x1xf32>
    %get3A_176 = vector.extract %get3A_175[0, 0] : f32 from vector<1x1xf32>
    %mul3A_177 = vector.broadcast %get3A_176 : f32 to vector<16x128x128xf32>
    %mul3A_178 = arith.mulf %max3A_78, %mul3A_177 : vector<16x128x128xf32>
    %add3A_179 = arith.addf %mul3A_172, %mul3A_178 : vector<16x128x128xf32>
    %get3A_180 = arith.constant 0 : index
    %get3A_181 = arith.constant 2 : index
    %get3A_182 = vector.load %arg3[%get3A_180, %get3A_181] : memref<2x4xf32, #tpu.memory_space<vmem>>, vector<1x1xf32>
    %get3A_183 = vector.extract %get3A_182[0, 0] : f32 from vector<1x1xf32>
    %mul3A_184 = vector.broadcast %get3A_183 : f32 to vector<16x128x128xf32>
    %mul3A_185 = arith.mulf %max3A_122, %mul3A_184 : vector<16x128x128xf32>
    %add3A_186 = arith.addf %add3A_179, %mul3A_185 : vector<16x128x128xf32>
    %get3A_187 = arith.constant 0 : index
    %get3A_188 = arith.constant 3 : index
    %get3A_189 = vector.load %arg3[%get3A_187, %get3A_188] : memref<2x4xf32, #tpu.memory_space<vmem>>, vector<1x1xf32>
    %get3A_190 = vector.extract %get3A_189[0, 0] : f32 from vector<1x1xf32>
    %mul3A_191 = vector.broadcast %get3A_190 : f32 to vector<16x128x128xf32>
    %mul3A_192 = arith.mulf %max3A_166, %mul3A_191 : vector<16x128x128xf32>
    %add3A_193 = arith.addf %add3A_186, %mul3A_192 : vector<16x128x128xf32>
    %get3A_194 = arith.constant 0 : index
    %get3A_195 = arith.constant 0 : index
    %get3A_196 = vector.load %arg4[%get3A_194, %get3A_195] : memref<1x2xf32, #tpu.memory_space<vmem>>, vector<1x1xf32>
    %get3A_197 = vector.extract %get3A_196[0, 0] : f32 from vector<1x1xf32>
    %add3A_198 = vector.broadcast %get3A_197 : f32 to vector<16x128x128xf32>
    %add3A_199 = arith.addf %add3A_193, %add3A_198 : vector<16x128x128xf32>
    %get3A_200 = arith.constant 1 : index
    %get3A_201 = arith.constant 0 : index
    %get3A_202 = vector.load %arg3[%get3A_200, %get3A_201] : memref<2x4xf32, #tpu.memory_space<vmem>>, vector<1x1xf32>
    %get3A_203 = vector.extract %get3A_202[0, 0] : f32 from vector<1x1xf32>
    %mul3A_204 = vector.broadcast %get3A_203 : f32 to vector<16x128x128xf32>
    %mul3A_205 = arith.mulf %max3A_34, %mul3A_204 : vector<16x128x128xf32>
    %get3A_206 = arith.constant 1 : index
    %get3A_207 = arith.constant 1 : index
    %get3A_208 = vector.load %arg3[%get3A_206, %get3A_207] : memref<2x4xf32, #tpu.memory_space<vmem>>, vector<1x1xf32>
    %get3A_209 = vector.extract %get3A_208[0, 0] : f32 from vector<1x1xf32>
    %mul3A_210 = vector.broadcast %get3A_209 : f32 to vector<16x128x128xf32>
    %mul3A_211 = arith.mulf %max3A_78, %mul3A_210 : vector<16x128x128xf32>
    %add3A_212 = arith.addf %mul3A_205, %mul3A_211 : vector<16x128x128xf32>
    %get3A_213 = arith.constant 1 : index
    %get3A_214 = arith.constant 2 : index
    %get3A_215 = vector.load %arg3[%get3A_213, %get3A_214] : memref<2x4xf32, #tpu.memory_space<vmem>>, vector<1x1xf32>
    %get3A_216 = vector.extract %get3A_215[0, 0] : f32 from vector<1x1xf32>
    %mul3A_217 = vector.broadcast %get3A_216 : f32 to vector<16x128x128xf32>
    %mul3A_218 = arith.mulf %max3A_122, %mul3A_217 : vector<16x128x128xf32>
    %add3A_219 = arith.addf %add3A_212, %mul3A_218 : vector<16x128x128xf32>
    %get3A_220 = arith.constant 1 : index
    %get3A_221 = arith.constant 3 : index
    %get3A_222 = vector.load %arg3[%get3A_220, %get3A_221] : memref<2x4xf32, #tpu.memory_space<vmem>>, vector<1x1xf32>
    %get3A_223 = vector.extract %get3A_222[0, 0] : f32 from vector<1x1xf32>
    %mul3A_224 = vector.broadcast %get3A_223 : f32 to vector<16x128x128xf32>
    %mul3A_225 = arith.mulf %max3A_166, %mul3A_224 : vector<16x128x128xf32>
    %add3A_226 = arith.addf %add3A_219, %mul3A_225 : vector<16x128x128xf32>
    %get3A_227 = arith.constant 0 : index
    %get3A_228 = arith.constant 1 : index
    %get3A_229 = vector.load %arg4[%get3A_227, %get3A_228] : memref<1x2xf32, #tpu.memory_space<vmem>>, vector<1x1xf32>
    %get3A_230 = vector.extract %get3A_229[0, 0] : f32 from vector<1x1xf32>
    %add3A_231 = vector.broadcast %get3A_230 : f32 to vector<16x128x128xf32>
    %add3A_232 = arith.addf %add3A_226, %add3A_231 : vector<16x128x128xf32>
    %get3A_233 = arith.constant 0 : index
    %get3A_234 = arith.constant 0 : index
    %get3A_235 = vector.load %arg5[%get3A_233, %get3A_234] : memref<3x2xf32, #tpu.memory_space<vmem>>, vector<1x1xf32>
    %get3A_236 = vector.extract %get3A_235[0, 0] : f32 from vector<1x1xf32>
    %sub3A_237 = vector.broadcast %get3A_236 : f32 to vector<16x128x128xf32>
    %sub3A_238 = arith.subf %add3A_199, %sub3A_237 : vector<16x128x128xf32>
    %integer_pow3A_239 = arith.mulf %sub3A_238, %sub3A_238 : vector<16x128x128xf32>
    %get3A_240 = arith.constant 0 : index
    %get3A_241 = arith.constant 1 : index
    %get3A_242 = vector.load %arg5[%get3A_240, %get3A_241] : memref<3x2xf32, #tpu.memory_space<vmem>>, vector<1x1xf32>
    %get3A_243 = vector.extract %get3A_242[0, 0] : f32 from vector<1x1xf32>
    %sub3A_244 = vector.broadcast %get3A_243 : f32 to vector<16x128x128xf32>
    %sub3A_245 = arith.subf %add3A_232, %sub3A_244 : vector<16x128x128xf32>
    %integer_pow3A_246 = arith.mulf %sub3A_245, %sub3A_245 : vector<16x128x128xf32>
    %add3A_247 = arith.addf %integer_pow3A_239, %integer_pow3A_246 : vector<16x128x128xf32>
    %get3A_248 = arith.constant 1 : index
    %get3A_249 = arith.constant 0 : index
    %get3A_250 = vector.load %arg5[%get3A_248, %get3A_249] : memref<3x2xf32, #tpu.memory_space<vmem>>, vector<1x1xf32>
    %get3A_251 = vector.extract %get3A_250[0, 0] : f32 from vector<1x1xf32>
    %sub3A_252 = vector.broadcast %get3A_251 : f32 to vector<16x128x128xf32>
    %sub3A_253 = arith.subf %add3A_199, %sub3A_252 : vector<16x128x128xf32>
    %integer_pow3A_254 = arith.mulf %sub3A_253, %sub3A_253 : vector<16x128x128xf32>
    %get3A_255 = arith.constant 1 : index
    %get3A_256 = arith.constant 1 : index
    %get3A_257 = vector.load %arg5[%get3A_255, %get3A_256] : memref<3x2xf32, #tpu.memory_space<vmem>>, vector<1x1xf32>
    %get3A_258 = vector.extract %get3A_257[0, 0] : f32 from vector<1x1xf32>
    %sub3A_259 = vector.broadcast %get3A_258 : f32 to vector<16x128x128xf32>
    %sub3A_260 = arith.subf %add3A_232, %sub3A_259 : vector<16x128x128xf32>
    %integer_pow3A_261 = arith.mulf %sub3A_260, %sub3A_260 : vector<16x128x128xf32>
    %add3A_262 = arith.addf %integer_pow3A_254, %integer_pow3A_261 : vector<16x128x128xf32>
    %get3A_263 = arith.constant 2 : index
    %get3A_264 = arith.constant 0 : index
    %get3A_265 = vector.load %arg5[%get3A_263, %get3A_264] : memref<3x2xf32, #tpu.memory_space<vmem>>, vector<1x1xf32>
    %get3A_266 = vector.extract %get3A_265[0, 0] : f32 from vector<1x1xf32>
    %sub3A_267 = vector.broadcast %get3A_266 : f32 to vector<16x128x128xf32>
    %sub3A_268 = arith.subf %add3A_199, %sub3A_267 : vector<16x128x128xf32>
    %integer_pow3A_269 = arith.mulf %sub3A_268, %sub3A_268 : vector<16x128x128xf32>
    %get3A_270 = arith.constant 2 : index
    %get3A_271 = arith.constant 1 : index
    %get3A_272 = vector.load %arg5[%get3A_270, %get3A_271] : memref<3x2xf32, #tpu.memory_space<vmem>>, vector<1x1xf32>
    %get3A_273 = vector.extract %get3A_272[0, 0] : f32 from vector<1x1xf32>
    %sub3A_274 = vector.broadcast %get3A_273 : f32 to vector<16x128x128xf32>
    %sub3A_275 = arith.subf %add3A_232, %sub3A_274 : vector<16x128x128xf32>
    %integer_pow3A_276 = arith.mulf %sub3A_275, %sub3A_275 : vector<16x128x128xf32>
    %add3A_277 = arith.addf %integer_pow3A_269, %integer_pow3A_276 : vector<16x128x128xf32>
    %le3A = arith.cmpf ole, %add3A_247, %add3A_262 : vector<16x128x128xf32>
    %select_n3A = arith.select %le3A, %add3A_247, %add3A_262 : vector<16x128x128xi1>, vector<16x128x128xf32>
    %lt3A = arith.cmpf olt, %add3A_277, %select_n3A : vector<16x128x128xf32>
    %get3A_278 = arith.constant 2 : index
    %get3A_279 = arith.constant 0 : index
    %get3A_280 = vector.load %arg5[%get3A_278, %get3A_279] : memref<3x2xf32, #tpu.memory_space<vmem>>, vector<1x1xf32>
    %get3A_281 = vector.extract %get3A_280[0, 0] : f32 from vector<1x1xf32>
    %get3A_282 = arith.constant 0 : index
    %get3A_283 = arith.constant 0 : index
    %get3A_284 = vector.load %arg5[%get3A_282, %get3A_283] : memref<3x2xf32, #tpu.memory_space<vmem>>, vector<1x1xf32>
    %get3A_285 = vector.extract %get3A_284[0, 0] : f32 from vector<1x1xf32>
    %get3A_286 = arith.constant 1 : index
    %get3A_287 = arith.constant 0 : index
    %get3A_288 = vector.load %arg5[%get3A_286, %get3A_287] : memref<3x2xf32, #tpu.memory_space<vmem>>, vector<1x1xf32>
    %get3A_289 = vector.extract %get3A_288[0, 0] : f32 from vector<1x1xf32>
    %broadcast_in_dim3A = vector.broadcast %get3A_285 : f32 to vector<16x128x128xf32>
    %broadcast_in_dim3A_290 = vector.broadcast %get3A_289 : f32 to vector<16x128x128xf32>
    %select_n3A_291 = arith.select %le3A, %broadcast_in_dim3A, %broadcast_in_dim3A_290 : vector<16x128x128xi1>, vector<16x128x128xf32>
    %broadcast_in_dim3A_292 = vector.broadcast %get3A_281 : f32 to vector<16x128x128xf32>
    %select_n3A_293 = arith.select %lt3A, %broadcast_in_dim3A_292, %select_n3A_291 : vector<16x128x128xi1>, vector<16x128x128xf32>
    %get3A_294 = arith.constant 2 : index
    %get3A_295 = arith.constant 1 : index
    %get3A_296 = vector.load %arg5[%get3A_294, %get3A_295] : memref<3x2xf32, #tpu.memory_space<vmem>>, vector<1x1xf32>
    %get3A_297 = vector.extract %get3A_296[0, 0] : f32 from vector<1x1xf32>
    %get3A_298 = arith.constant 0 : index
    %get3A_299 = arith.constant 1 : index
    %get3A_300 = vector.load %arg5[%get3A_298, %get3A_299] : memref<3x2xf32, #tpu.memory_space<vmem>>, vector<1x1xf32>
    %get3A_301 = vector.extract %get3A_300[0, 0] : f32 from vector<1x1xf32>
    %get3A_302 = arith.constant 1 : index
    %get3A_303 = arith.constant 1 : index
    %get3A_304 = vector.load %arg5[%get3A_302, %get3A_303] : memref<3x2xf32, #tpu.memory_space<vmem>>, vector<1x1xf32>
    %get3A_305 = vector.extract %get3A_304[0, 0] : f32 from vector<1x1xf32>
    %broadcast_in_dim3A_306 = vector.broadcast %get3A_301 : f32 to vector<16x128x128xf32>
    %broadcast_in_dim3A_307 = vector.broadcast %get3A_305 : f32 to vector<16x128x128xf32>
    %select_n3A_308 = arith.select %le3A, %broadcast_in_dim3A_306, %broadcast_in_dim3A_307 : vector<16x128x128xi1>, vector<16x128x128xf32>
    %broadcast_in_dim3A_309 = vector.broadcast %get3A_297 : f32 to vector<16x128x128xf32>
    %select_n3A_310 = arith.select %lt3A, %broadcast_in_dim3A_309, %select_n3A_308 : vector<16x128x128xi1>, vector<16x128x128xf32>
    %sub3A_311 = arith.subf %select_n3A_293, %add3A_199 : vector<16x128x128xf32>
    %integer_pow3A_312 = arith.mulf %sub3A_311, %sub3A_311 : vector<16x128x128xf32>
    %sub3A_313 = arith.subf %select_n3A_310, %add3A_232 : vector<16x128x128xf32>
    %integer_pow3A_314 = arith.mulf %sub3A_313, %sub3A_313 : vector<16x128x128xf32>
    %add3A_315 = arith.addf %integer_pow3A_312, %integer_pow3A_314 : vector<16x128x128xf32>
    %reduce_sum3A_316 = vector.shape_cast %add3A_315 : vector<16x128x128xf32> to vector<1x16x128x128xf32>
    %reduce_sum3A_317 = arith.constant dense<0.000000e+00> : vector<1xf32>
    %reduce_sum3A_318 = vector.multi_reduction <add>, %reduce_sum3A_316, %reduce_sum3A_317 [1, 2, 3] : vector<1x16x128x128xf32> to vector<1xf32>
    %reduce_sum3A_319 = vector.shape_cast %reduce_sum3A_318 : vector<1xf32> to vector<1x1x1x1xf32>
    %reduce_sum3A_320 = vector.extract %reduce_sum3A_319[0, 0, 0, 0] : f32 from vector<1x1x1x1xf32>
    %div3A_321 = arith.constant 2.621440e+05 : f32
    %div3A_322 = arith.divf %reduce_sum3A_320, %div3A_321 : f32
    %mul3A_323 = arith.constant 6.000000e-01 : f32
    %mul3A_324 = arith.mulf %mul3A_323, %div3A_322 : f32
    %broadcast_in_dim3A_325 = vector.broadcast %mul3A_324 : f32 to vector<8x128xf32>
    %swap3A = arith.constant 0 : index
    %swap3A_326 = arith.constant 0 : index
    %swap3A_327 = vector.load %arg9[%swap3A, %swap3A_326] : memref<8x128xf32, #tpu.memory_space<vmem>>, vector<8x128xf32>
    tpu.vector_store %arg9[%swap3A, %swap3A_326], %broadcast_in_dim3A_325 {strides = array<i32>} : memref<8x128xf32, #tpu.memory_space<vmem>>, vector<8x128xf32>,
    %get3A_328 = arith.constant 0 : index
    %get3A_329 = arith.constant 0 : index
    %get3A_330 = vector.load %arg6[%get3A_328, %get3A_329] : memref<4x2xf32, #tpu.memory_space<vmem>>, vector<1x1xf32>
    %get3A_331 = vector.extract %get3A_330[0, 0] : f32 from vector<1x1xf32>
    %mul3A_332 = vector.broadcast %get3A_331 : f32 to vector<16x128x128xf32>
    %mul3A_333 = arith.mulf %select_n3A_293, %mul3A_332 : vector<16x128x128xf32>
    %get3A_334 = arith.constant 0 : index
    %get3A_335 = arith.constant 1 : index
    %get3A_336 = vector.load %arg6[%get3A_334, %get3A_335] : memref<4x2xf32, #tpu.memory_space<vmem>>, vector<1x1xf32>
    %get3A_337 = vector.extract %get3A_336[0, 0] : f32 from vector<1x1xf32>
    %mul3A_338 = vector.broadcast %get3A_337 : f32 to vector<16x128x128xf32>
    %mul3A_339 = arith.mulf %select_n3A_310, %mul3A_338 : vector<16x128x128xf32>
    %add3A_340 = arith.addf %mul3A_333, %mul3A_339 : vector<16x128x128xf32>
    %get3A_341 = arith.constant 0 : index
    %get3A_342 = arith.constant 0 : index
    %get3A_343 = vector.load %arg7[%get3A_341, %get3A_342] : memref<1x4xf32, #tpu.memory_space<vmem>>, vector<1x1xf32>
    %get3A_344 = vector.extract %get3A_343[0, 0] : f32 from vector<1x1xf32>
    %add3A_345 = vector.broadcast %get3A_344 : f32 to vector<16x128x128xf32>
    %add3A_346 = arith.addf %add3A_340, %add3A_345 : vector<16x128x128xf32>
    %swap3A_347 = arith.constant 0 : index
    %swap3A_348 = arith.constant 0 : index
    %swap3A_349 = arith.constant 0 : index
    %swap3A_350 = arith.constant 0 : index
    %swap3A_351 = vector.load %arg8[%swap3A_347, %swap3A_348, %swap3A_349, %swap3A_350] : memref<16x4x128x128xf32, #tpu.memory_space<vmem>>, vector<16x1x128x128xf32>
    %swap3A_352 = vector.shape_cast %swap3A_351 : vector<16x1x128x128xf32> to vector<16x128x128xf32>
    %swap3A_353 = vector.shape_cast %add3A_346 : vector<16x128x128xf32> to vector<16x1x128x128xf32>
    tpu.vector_store %arg8[%swap3A_347, %swap3A_348, %swap3A_349, %swap3A_350], %swap3A_353 {strides = array<i32>} : memref<16x4x128x128xf32, #tpu.memory_space<vmem>>, vector<16x1x128x128xf32>,
    %get3A_354 = arith.constant 1 : index
    %get3A_355 = arith.constant 0 : index
    %get3A_356 = vector.load %arg6[%get3A_354, %get3A_355] : memref<4x2xf32, #tpu.memory_space<vmem>>, vector<1x1xf32>
    %get3A_357 = vector.extract %get3A_356[0, 0] : f32 from vector<1x1xf32>
    %mul3A_358 = vector.broadcast %get3A_357 : f32 to vector<16x128x128xf32>
    %mul3A_359 = arith.mulf %select_n3A_293, %mul3A_358 : vector<16x128x128xf32>
    %get3A_360 = arith.constant 1 : index
    %get3A_361 = arith.constant 1 : index
    %get3A_362 = vector.load %arg6[%get3A_360, %get3A_361] : memref<4x2xf32, #tpu.memory_space<vmem>>, vector<1x1xf32>
    %get3A_363 = vector.extract %get3A_362[0, 0] : f32 from vector<1x1xf32>
    %mul3A_364 = vector.broadcast %get3A_363 : f32 to vector<16x128x128xf32>
    %mul3A_365 = arith.mulf %select_n3A_310, %mul3A_364 : vector<16x128x128xf32>
    %add3A_366 = arith.addf %mul3A_359, %mul3A_365 : vector<16x128x128xf32>
    %get3A_367 = arith.constant 0 : index
    %get3A_368 = arith.constant 1 : index
    %get3A_369 = vector.load %arg7[%get3A_367, %get3A_368] : memref<1x4xf32, #tpu.memory_space<vmem>>, vector<1x1xf32>
    %get3A_370 = vector.extract %get3A_369[0, 0] : f32 from vector<1x1xf32>
    %add3A_371 = vector.broadcast %get3A_370 : f32 to vector<16x128x128xf32>
    %add3A_372 = arith.addf %add3A_366, %add3A_371 : vector<16x128x128xf32>
    %swap3A_373 = arith.constant 0 : index
    %swap3A_374 = arith.constant 1 : index
    %swap3A_375 = arith.constant 0 : index
    %swap3A_376 = arith.constant 0 : index
    %swap3A_377 = vector.load %arg8[%swap3A_373, %swap3A_374, %swap3A_375, %swap3A_376] : memref<16x4x128x128xf32, #tpu.memory_space<vmem>>, vector<16x1x128x128xf32>
    %swap3A_378 = vector.shape_cast %swap3A_377 : vector<16x1x128x128xf32> to vector<16x128x128xf32>
    %swap3A_379 = vector.shape_cast %add3A_372 : vector<16x128x128xf32> to vector<16x1x128x128xf32>
    tpu.vector_store %arg8[%swap3A_373, %swap3A_374, %swap3A_375, %swap3A_376], %swap3A_379 {strides = array<i32>} : memref<16x4x128x128xf32, #tpu.memory_space<vmem>>, vector<16x1x128x128xf32>,
    %get3A_380 = arith.constant 2 : index
    %get3A_381 = arith.constant 0 : index
    %get3A_382 = vector.load %arg6[%get3A_380, %get3A_381] : memref<4x2xf32, #tpu.memory_space<vmem>>, vector<1x1xf32>
    %get3A_383 = vector.extract %get3A_382[0, 0] : f32 from vector<1x1xf32>
    %mul3A_384 = vector.broadcast %get3A_383 : f32 to vector<16x128x128xf32>
    %mul3A_385 = arith.mulf %select_n3A_293, %mul3A_384 : vector<16x128x128xf32>
    %get3A_386 = arith.constant 2 : index
    %get3A_387 = arith.constant 1 : index
    %get3A_388 = vector.load %arg6[%get3A_386, %get3A_387] : memref<4x2xf32, #tpu.memory_space<vmem>>, vector<1x1xf32>
    %get3A_389 = vector.extract %get3A_388[0, 0] : f32 from vector<1x1xf32>
    %mul3A_390 = vector.broadcast %get3A_389 : f32 to vector<16x128x128xf32>
    %mul3A_391 = arith.mulf %select_n3A_310, %mul3A_390 : vector<16x128x128xf32>
    %add3A_392 = arith.addf %mul3A_385, %mul3A_391 : vector<16x128x128xf32>
    %get3A_393 = arith.constant 0 : index
    %get3A_394 = arith.constant 2 : index
    %get3A_395 = vector.load %arg7[%get3A_393, %get3A_394] : memref<1x4xf32, #tpu.memory_space<vmem>>, vector<1x1xf32>
    %get3A_396 = vector.extract %get3A_395[0, 0] : f32 from vector<1x1xf32>
    %add3A_397 = vector.broadcast %get3A_396 : f32 to vector<16x128x128xf32>
    %add3A_398 = arith.addf %add3A_392, %add3A_397 : vector<16x128x128xf32>
    %swap3A_399 = arith.constant 0 : index
    %swap3A_400 = arith.constant 2 : index
    %swap3A_401 = arith.constant 0 : index
    %swap3A_402 = arith.constant 0 : index
    %swap3A_403 = vector.load %arg8[%swap3A_399, %swap3A_400, %swap3A_401, %swap3A_402] : memref<16x4x128x128xf32, #tpu.memory_space<vmem>>, vector<16x1x128x128xf32>
    %swap3A_404 = vector.shape_cast %swap3A_403 : vector<16x1x128x128xf32> to vector<16x128x128xf32>
    %swap3A_405 = vector.shape_cast %add3A_398 : vector<16x128x128xf32> to vector<16x1x128x128xf32>
    tpu.vector_store %arg8[%swap3A_399, %swap3A_400, %swap3A_401, %swap3A_402], %swap3A_405 {strides = array<i32>} : memref<16x4x128x128xf32, #tpu.memory_space<vmem>>, vector<16x1x128x128xf32>,
    %get3A_406 = arith.constant 3 : index
    %get3A_407 = arith.constant 0 : index
    %get3A_408 = vector.load %arg6[%get3A_406, %get3A_407] : memref<4x2xf32, #tpu.memory_space<vmem>>, vector<1x1xf32>
    %get3A_409 = vector.extract %get3A_408[0, 0] : f32 from vector<1x1xf32>
    %mul3A_410 = vector.broadcast %get3A_409 : f32 to vector<16x128x128xf32>
    %mul3A_411 = arith.mulf %select_n3A_293, %mul3A_410 : vector<16x128x128xf32>
    %get3A_412 = arith.constant 3 : index
    %get3A_413 = arith.constant 1 : index
    %get3A_414 = vector.load %arg6[%get3A_412, %get3A_413] : memref<4x2xf32, #tpu.memory_space<vmem>>, vector<1x1xf32>
    %get3A_415 = vector.extract %get3A_414[0, 0] : f32 from vector<1x1xf32>
    %mul3A_416 = vector.broadcast %get3A_415 : f32 to vector<16x128x128xf32>
    %mul3A_417 = arith.mulf %select_n3A_310, %mul3A_416 : vector<16x128x128xf32>
    %add3A_418 = arith.addf %mul3A_411, %mul3A_417 : vector<16x128x128xf32>
    %get3A_419 = arith.constant 0 : index
    %get3A_420 = arith.constant 3 : index
    %get3A_421 = vector.load %arg7[%get3A_419, %get3A_420] : memref<1x4xf32, #tpu.memory_space<vmem>>, vector<1x1xf32>
    %get3A_422 = vector.extract %get3A_421[0, 0] : f32 from vector<1x1xf32>
    %add3A_423 = vector.broadcast %get3A_422 : f32 to vector<16x128x128xf32>
    %add3A_424 = arith.addf %add3A_418, %add3A_423 : vector<16x128x128xf32>
    %swap3A_425 = arith.constant 0 : index
    %swap3A_426 = arith.constant 3 : index
    %swap3A_427 = arith.constant 0 : index
    %swap3A_428 = arith.constant 0 : index
    %swap3A_429 = vector.load %arg8[%swap3A_425, %swap3A_426, %swap3A_427, %swap3A_428] : memref<16x4x128x128xf32, #tpu.memory_space<vmem>>, vector<16x1x128x128xf32>
    %swap3A_430 = vector.shape_cast %swap3A_429 : vector<16x1x128x128xf32> to vector<16x128x128xf32>
    %swap3A_431 = vector.shape_cast %add3A_424 : vector<16x128x128xf32> to vector<16x1x128x128xf32>
    tpu.vector_store %arg8[%swap3A_425, %swap3A_426, %swap3A_427, %swap3A_428], %swap3A_431 {strides = array<i32>} : memref<16x4x128x128xf32, #tpu.memory_space<vmem>>, vector<16x1x128x128xf32>,
    return
  }
}

</mosaic_0001>

<sc_bundles>
// kernel: scatter_offload_async_start.1
scs
__scs_entry_jumppad:
0x0: {  	(pc) =	sbr.rel $0x88, $3  }
0x1: {  	(tag) =	ssettag $0x0;
	lr =	simm.s32 $0x1  }
0x2: {  	[smem:$0x3F8D] =	sst lr;
	_ =	strace $0xD0000000  }
0x3: {  	_ = 	snop  }
0x4: {  	_ = 	snop  }
0x5: {  	_ = 	snop  }
0x6: {  	_ = 	snop  }
0x7: {  	_ = 	snop  }
__scs_overlays_trampoline_lowered:
0x8: {  	[smem:$0x3F9C] =	sst s0  }
0x9: {  	[smem:$0x3F9D] =	sst s1  }
0xa: {  	[smem:$0x3F9E] =	sst s2  }
0xb: {  	[smem:$0x3F9F] =	sst s3  }
0xc: {  	[smem:$0x3FA0] =	sst s4  }
0xd: {  	[smem:$0x3FA1] =	sst s5  }
0xe: {  	[smem:$0x3FA2] =	sst s6  }
0xf: {  	[smem:$0x3FA3] =	sst s7  }
0x10: {  	[smem:$0x3FA4] =	sst s8  }
0x11: {  	[smem:$0x3FA5] =	sst s9;
	s0 =	simm.s32 @!p0 $0x0  }
0x12: {  	s1 =	sld [smem:$0x3F8B];
	s0 =	simm.s32 @p0 $0x1  }
0x13: {  	[smem:$0x3FA6] =	sst s0;
	s0 =	simm.s32 @!p1 $0x0  }
0x14: {  	s2 =	sld [smem:$0x3F8A];
	s0 =	simm.s32 @p1 $0x1  }
0x15: {  	[smem:$0x3FA7] =	sst s0;
	s0 =	simm.s32 @!p2 $0x0  }
0x16: {  	s3 =	sld [smem:$0x3FDB];
	s0 =	simm.s32 @p2 $0x1  }
0x17: {  	s4 =	simm.s32 $0x1BF5;
	[smem:$0x3FA9] =	sst s0  }
0x18: {  	s0 =	sld [smem:$0x3F8C];
	_ =	swait.ge [sflag:s4], $0x0  }
0x19: {  	s7 =	sld [smem:$0x3F8D]  }
0x1a: {  	s8 =	sadd.s32 $0xFFFFE003, lr  }
0x1b: {  	s9 =	sadd.s32 $0xFFFFFEF7, lr;
	s5 =	simm.s32 $0xFFFFFFFF;
	p2 =	slt.u32 s8, $0xFFFFF086  }
0x1c: {  	p1 =	slt.u32 s9, $0xF7A;
	s5 =	simm.s32 @!p2 $0x0  }
0x1d: {  	s5 =	simm.s32 @p1 $0x1;
	p0 =	seq.s32 s7, s2  }
0x1e: {  	s7 =	smul.u32 @!p0 $0xF7A, s2;
	p2 =	seq.s32 @!p0 s5, $0x0  }
0x1f: {  	s9 =	smul.u32 $0xF7A, s1;
	s8 =	simm.s32 @!p0 $0x1BF5;
	p2 =	por !p2, p0  }
0x20: {  	[sflag:s8] =	ssyncset.s32 @!p0 $0xFFFFF086;
	s6 =	sadd.s32 @!p0 s3, s7;
	s7 =	simm.s32 @!p0 $0x108  }
0x21: {  	s3 =	sadd.s32 s3, s9;
	s6 =	sadd.s32 @!p0 $0x88, s6;
	s7 =	simm.s32 @p2 $0x1082  }
0x22: {  	[simem:s7], [sflag:s8] =	dma.local @!p0 [hbm:s6], $0xF7A  }
0x23: {  	s9 =	sor.u32 $0xD0000000, s2;
	s6 =	simm.s32 $0x108;
	_ =	swait.ge @!p0 [sflag:s8], $0x0  }
0x24: {  	s3 =	sadd.s32 $0x88, s3;
	s6 =	simm.s32 @!p1 $0x1082;
	[sflag:s4] =	ssyncset.s32 $0xFFFFF086  }
0x25: {  	[simem:s6], [sflag:s4] =	dma.local [hbm:s3], $0xF7A  }
0x26: {  	[smem:$0x3F8D] =	sst s1;
	(tag) =	ssettag s2;
	_ =	strace s9  }
0x27: {  	s1 =	sld [smem:$0x3F9D]  }
0x28: {  	s2 =	sld [smem:$0x3F9E]  }
0x29: {  	s4 =	sld [smem:$0x3FA0]  }
0x2a: {  	p0 =	seq.s32 s5, $0x0;
	s5 =	sld [smem:$0x3FA1]  }
0x2b: {  	s6 =	sld [smem:$0x3FA2]  }
0x2c: {  	s7 =	sld [smem:$0x3FA3]  }
0x2d: {  	s3 =	simm.s32 $0x108;
	s8 =	sld [smem:$0x3FA4]  }
0x2e: {  	s3 =	simm.s32 @!p0 $0x1082;
	s9 =	sld [smem:$0x3FA5]  }
0x2f: {  	lr =	sadd.s32 s0, s3;
	s0 =	sld [smem:$0x3F9C]  }
0x30: {  	s3 =	sld [smem:$0x3F9F]  }
0x31: {  	[smem:$0x3FA8] =	sst s10  }
0x32: {  	s10 =	sld [smem:$0x3FA6];
	_ =	sdelay $0x3  }
0x33: {  	p0 =	seq.s32 s10, $0x1;
	s10 =	sld [smem:$0x3FA8];
	_ =	sdelay $0x3  }
0x34: {  	[smem:$0x3FA8] =	sst s10  }
0x35: {  	s10 =	sld [smem:$0x3FA7];
	_ =	sdelay $0x3  }
0x36: {  	p1 =	seq.s32 s10, $0x1;
	s10 =	sld [smem:$0x3FA8];
	_ =	sdelay $0x3  }
0x37: {  	[smem:$0x3FA8] =	sst s10  }
0x38: {  	s10 =	sld [smem:$0x3FA9]  }
0x39: {  	_ = 	snop;
	(pc) =	sbr.ind lr, $3  }
0x3a: {  	_ = 	snop  }
0x3b: {  	_ = 	snop  }
0x3c: {  	p2 =	seq.s32 s10, $0x1;
	s10 =	sld [smem:$0x3FA8]  }
0x3d: {  	_ =	shalt  }
0x3e: {  	_ =	shalt  }
0x3f: {  	_ =	shalt  }
0x40: {  	_ =	shalt  }
0x41: {  	_ =	shalt  }
0x42: {  	_ =	shalt  }
0x43: {  	_ =	shalt  }
0x44: {  	_ =	shalt  }
0x45: {  	_ =	shalt  }
0x46: {  	_ =	shalt  }
0x47: {  	_ =	shalt  }
0x48: {  	_ =	shalt  }
0x49: {  	_ =	shalt  }
0x4a: {  	_ =	shalt  }
0x4b: {  	_ =	shalt  }
0x4c: {  	_ =	shalt  }
0x4d: {  	_ =	shalt  }
0x4e: {  	_ =	shalt  }
0x4f: {  	_ =	shalt  }
0x50: {  	_ =	shalt  }
0x51: {  	_ =	shalt  }
0x52: {  	_ =	shalt  }
0x53: {  	_ =	shalt  }
0x54: {  	_ =	shalt  }
0x55: {  	_ =	shalt  }
0x56: {  	_ =	shalt  }
0x57: {  	_ =	shalt  }
0x58: {  	_ =	shalt  }
0x59: {  	_ =	shalt  }
0x5a: {  	_ =	shalt  }
0x5b: {  	_ =	shalt  }
0x5c: {  	_ =	shalt  }
0x5d: {  	_ =	shalt  }
0x5e: {  	_ =	shalt  }
0x5f: {  	_ =	shalt  }
0x60: {  	_ =	shalt  }
0x61: {  	_ =	shalt  }
0x62: {  	_ =	shalt  }
0x63: {  	_ =	shalt  }
0x64: {  	_ =	shalt  }
0x65: {  	_ =	shalt  }
0x66: {  	_ =	shalt  }
0x67: {  	_ =	shalt  }
0x68: {  	_ =	shalt  }
0x69: {  	_ =	shalt  }
0x6a: {  	_ =	shalt  }
0x6b: {  	_ =	shalt  }
0x6c: {  	_ =	shalt  }
0x6d: {  	_ =	shalt  }
0x6e: {  	_ =	shalt  }
0x6f: {  	_ =	shalt  }
0x70: {  	_ =	shalt  }
0x71: {  	_ =	shalt  }
0x72: {  	_ =	shalt  }
0x73: {  	_ =	shalt  }
0x74: {  	_ =	shalt  }
0x75: {  	_ =	shalt  }
0x76: {  	_ =	shalt  }
0x77: {  	_ =	shalt  }
0x78: {  	_ =	shalt  }
0x79: {  	_ =	shalt  }
0x7a: {  	_ =	shalt  }
0x7b: {  	_ =	shalt  }
0x7c: {  	_ =	shalt  }
0x7d: {  	_ =	shalt  }
0x7e: {  	_ =	shalt  }
0x7f: {  	_ =	shalt  }
0x80: {  	_ =	shalt  }
0x81: {  	_ =	shalt  }
0x82: {  	_ =	shalt  }
0x83: {  	_ =	shalt  }
0x84: {  	_ =	shalt  }
0x85: {  	_ =	shalt  }
0x86: {  	_ =	shalt  }
0x87: {  	_ =	shalt  }
.Lfunc_end0:
.L_simem_size_0:
called_computation.1_lowered:
.L_overlay_start_0:
0x88: {  	s2 =	sld [smem:$0x3FD9]  }
0x89: {  	s3 =	sld [smem:$0x3FFE];
	_ =	sdelay $0x1  }
0x8a: {  	s1 =	srdreg.scid  }
0x8b: {  	s0 =	sand.u32 $0x1, s1  }
0x8c: {  	s14 =	sshll.u32 s0, $0xA;
	s2 =	sadd.s32 s3, s2  }
0x8d: {  	s2 =	sadd.s32 s2, s14  }
0x8e: {  	[smem:$0x3FB4] =	sst s2  }
0x8f: {  	_ = 	snop  }
0x90: {  	s2 =	sld [smem:$0x3FD0];
	_ =	sdelay $0x2  }
0x91: {  	s15 =	simm.s32 $0xA;
	s4 =	simm.s32 $0x10  }
0x92: {  	[smem:s4], [sflag:s15] =	dma.local [hbm:s2], $0x1  }
0x93: {  	_ =	swait.eq [sflag:s15], $0x1  }
0x94: {  	[sflag:s15] =	ssyncset.done $0x0  }
0x95: {  	[sflag:s15] =	ssyncadd.s32 $0xFFFFFFFF  }
0x96: {  	s16 =	sld [smem:$0x10];
	(tm) =	ssettm $0x1  }
0x97: {  	s17 =	sld [smem:$0x3FFB];
	_ =	sdelay $0x3  }
0x98: {  	_ =	strace s17  }
0x99: {  	s3 =	sld [smem:$0x3FFC];
	_ =	sdelay $0x3  }
0x9a: {  	_ =	strace s3  }
0x9b: {  	s3 =	sld [smem:$0x3FFD];
	_ =	sdelay $0x3  }
0x9c: {  	_ =	strace s3  }
0x9d: {  	_ =	strace $0x8FFFFFFF  }
0x9e: {  	s18 =	sld [smem:$0x3FDB];
	_ =	sdelay $0x1  }
0x9f: {  	s19 =	simm.s32 $_scs_section_size  }
0xa0: {  	s5 =	simm.s32 $_size__tile_overlayer_lowered;
	s6 =	simm.s32 $_tile_overlayer_lowered  }
0xa1: {  	s22 =	simm.s32 $0x1BFF;
	s21 =	sshll.u32 s6, $0x1;
	s3 =	sadd.s32 s19, s18  }
0xa2: {  	s7 =	simm.s32 $0x0;
	s20 =	sshll.u32 s5, $0x1;
	s5 =	sadd.s32 s21, s3  }
0xa3: {  	[timem:s7], [sflag:s22] =	dma.local [hbm:s5], s20  }
0xa4: {  	_ =	swait.ge [sflag:s22], s20  }
0xa5: {  	s4 =	ssub.s32 $0x0, s20;
	[sflag:s22] =	ssyncset.done $0x0  }
0xa6: {  	[sflag:s22] =	ssyncadd.s32 s4;
	_ =	sdelay $0x1  }
0xa7: {  	s23 =	simm.s32 $0x1B8B  }
0xa8: {  	_ =	swait.ge [sflag:s23], $0x1  }
0xa9: {  	[sflag:s23] =	ssyncset.done $0x0  }
0xaa: {  	s25 =	simm.s32 $0x1B8E;
	s24 =	sld [smem:$0x3FFE];
	[sflag:s23] =	ssyncadd.s32 $0xFFFFFFFF  }
0xab: {  	s26 =	simm.s32 $execute0_lowered;
	[smem:$0x3FD2] =	sst s25  }
0xac: {  	s5 =	sshll.u32 s26, $0x1;
	_ =	strace $0x80000055;
	[dreg:$0x1] =	wrdreg $0xFFFFFFFF  }
0xad: {  	s28 =	simm.s32 $_size_execute0_lowered;
	s3 =	sadd.s32 s3, s5;
	[dreg:$0x0] =	wrdreg $0x0  }
0xae: {  	s5 =	sshll.u32 s28, $0x1;
	[dreg:$0x2] =	wrdreg s3  }
0xaf: {  	[dreg:$0x3] =	wrdreg s5  }
0xb0: {  	[dreg:$0x4] =	wrdreg $0xC0  }
0xb1: {  	_ =	task [dreg:s7], $0x5FFFF  }
0xb2: {  	[dreg:$0x1] =	wrdreg $0xFFFFFFFF  }
0xb3: {  	[dreg:$0x0] =	wrdreg $0x60  }
0xb4: {  	[dreg:$0x2] =	wrdreg s24  }
0xb5: {  	[dreg:$0x3] =	wrdreg s16  }
0xb6: {  	[dreg:$0x4] =	wrdreg s1  }
0xb7: {  	[dreg:$0x5] =	wrdreg $0x9  }
0xb8: {  	_ =	task.clear_ibuf [dreg:s7], $0x6FFFF;
	_ =	strace $0x90000055  }
0xb9: {  	s29 =	simm.s32 $0x9;
	_ =	strace $0x80000057  }
0xba: {  	_ =	swait.ge [sflag:s29], $0x1  }
0xbb: {  	[sflag:s29] =	ssyncadd.s32 $0xFFFFFFFF  }
0xbc: {  	_ =	strace $0x90000057  }
0xbd: {  	_ =	sfence  }
0xbe: {  	s30 =	sld [smem:$0x0];
	_ =	sdelay $0x2  }
0xbf: {  	s31 =	sshll.u32 s1, $0xD;
	s1 =	sshrl.u32 s1, $0x2  }
0xc0: {  	s3 =	sand.u32 $0x4000, s31;
	s1 =	sadd.s32 s1, s30  }
0xc1: {  	s0 =	sor.u32 s3, s0;
	s1 =	sshll.u32 s1, $0x11  }
0xc2: {  	s0 =	sor.u32 s1, s0  }
0xc3: {  	s0 =	sadd.s32 $0x8F2B, s0  }
0xc4: {  	[sflag:s0] =	ssyncadd.remote.s32 $0x1  }
0xc5: {  	_ =	sfence.sel $0xFFFF  }
0xc6: {  	[dreg:$0x0] =	wrdreg $0xFFFFFFFF;
	(pc) =	sbr.abs _section_cstart, $3  }
0xc7: {  	[dreg:$0x1] =	wrdreg $0xFFFFFFFF  }
0xc8: {  	_ =	task.clear_ibuf [dreg:s7], $0x2FFFF;
	_ =	strace $0x9FFFFFFF  }
0xc9: {  	(tm) =	ssettm $0x7FFFFFFF  }
tec
execute0_lowered:
.L_overlay_start_1:
0x0: {  	(tag) =	ssettag $0x1  }
0x1: {  	s4 =	rddreg [dreg:$0x0]  }
0x2: {  	s7 =	rddreg [dreg:$0x1]  }
0x3: {  	s1 =	rddreg [dreg:$0x2]  }
0x4: {  	s0 =	rddreg [dreg:$0x3];
	_ =	strace $0x80000056  }
0x5: {  	s3 =	simm.s32 $0x1;
	s6 =	simm.s32 $0x2;
	s10 =	simm.s32 $0x10  }
0x6: {  	s11 =	simm.s32 $0x2020;
	s1 =	sshll.u32 s1, $0xF;
	s2 =	sadd.s32 $0x1401800, s4  }
.Ltmp0:
0x7: {  	[sflag:s3] =	ssyncpa.u1 $0x0;
	s8 =	sand.u32 $0x8000, s1;
	(pc) =	sbr.rel .LBB2_1-.Ltmp0, $4  }
0x8: {  	(ifvalue) =	ssetifvalue $0x1FE00800;
	s1 =	stileid.u32;
	s5 =	sshll.u32 s8, $0x8  }
0x9: {  	s8 =	sshrl.u32 s8, $0x3;
	s9 =	sadd.s32 s5, s4;
	s4 =	sshll.u32 s1, $0xB  }
0xa: {  	[sflag:s6] =	ssyncpa.u1 $0x0;
	s7 =	sadd.s32 s8, s7;
	s5 =	sadd.s32 $0x800, s4  }
0xb: {  	s8 =	sadd.s32 $0x401800, s9;
	s9 =	simm.s32 $0x0;
	s12 =	smov.u32 s4  }
.LBB2_3:
0xc: {  	s9 =	sadd.s32 $0x1, s9  }
0xd: {  	p1 =	sne.s32 s9, $0x81  }
.Ltmp1:
0xe: {  	_ = 	snop;
	(pc) =	sbr.rel @!p1 .LBB2_4-.Ltmp1, $4  }
0xf: {  	_ = 	snop  }
0x10: {  	s13 =	sadd.s32 $0x10, s12  }
0x11: {  	s12 =	smov.u32 s4;
	p0 =	slt.s32 s13, s5  }
0x12: {  	s12 =	smov.u32 @p0 s13  }
.LBB2_1:
0x13: {  	p0 =	seq.s32 s9, $0x80  }
0x14: {  	s13 =	sand.u32 @!p0 $0x1, s9;
	s15 =	sshrl.u32 @!p0 s12, $0x3;
	p1 =	seq.s32 @!p0 s9, $0x0  }
0x15: {  	s17 =	sand.u32 @!p0 $0x7, s12;
	s14 =	sxor.u32 @!p0 $0x1, s13;
	p1 =	por p0, !p1  }
.Ltmp2:
0x16: {  	s15 =	sadd.s32 @!p0 s15, s7;
	s16 =	sshll.u32 @!p0 s14, $0x4;
	(pc) =	sbr.rel @!p1 .LBB2_3-.Ltmp2, $4  }
0x17: {  	[tilespmem:s16], [sflag:$0x2] =	stream.linear.gather @!p0 [hbm4b:s15+s17], $0x10, $0x38;
	[tilespmem:$0x2030] =	vst v63  }
0x18: {  	s14 =	sshll.u32 @!p0 s14, $0xC;
	s15 =	sshll.u32 @!p0 s12, $0x8  }
0x19: {  	s14 =	sor.u32 @!p0 $0x20, s14;
	s16 =	simm.s32 @!p0 $0x0;
	s15 =	sadd.s32 @!p0 s15, s8  }
0x1a: {  	[tilespmem:s14], [sflag:$0x2] =	stream.linear.gather @!p0 [hbm4b:s15+s16], $0x1000, $0x38;
	[tilespmem:$0x2030] =	vst v63  }
0x1b: {  	_ =	swait.ge [sflag:s6], $0x1010  }
0x1c: {  	s13 =	simm.s32 @p0 $0x0;
	[sflag:s6] =	ssyncset.done $0x0  }
0x1d: {  	s14 =	sshll.u32 s13, $0x4;
	[sflag:s6] =	ssyncadd.s32 $0xFFFFEFF0  }
0x1e: {  	v0 =	vld.msk [tilespmem:s14+$0x0 ss:$0x1], $0xffff;
	_ =	sdelay $0x4  }
0x1f: {  	v0 =	vshll.u32 v0, $0xB  }
0x20: {  	v0 =	vmin.u32 v0, $0x1FE00800  }
0x21: {  	s13 =	sshll.u32 s13, $0xC;
	v0 =	vshrl.u32 v0, $0x8  }
0x22: {  	s13 =	sor.u32 $0x20, s13;
	[tilespmem:$0x2020] =	vst v0;
	(ifvalue) =	ssetifvalue $0x1FE00800  }
0x23: {  	[hbm:s2] =	stream.indirect.scatter [tilespmem:s13], [sflag:$0x1], $0x100, s11, s10, $0x40b8;
	[tilespmem:$0x2030] =	vst v63  }
.Ltmp3:
0x24: {  	_ = 	snop;
	(pc) =	sbr.rel .LBB2_3-.Ltmp3, $4  }
0x25: {  	_ =	swait.ge [sflag:s3], $0x1000  }
0x26: {  	[sflag:s3] =	ssyncset.done $0x0  }
0x27: {  	[sflag:s3] =	ssyncadd.s32 $0xFFFFF000  }
0x28: {  	[sflag:s3] =	ssyncpa.u1 $0x1  }
.LBB2_4:
0x29: {  	_ =	sfence.sel $0x180000  }
0x2a: {  	s2 =	simm.s32 $0x2;
	[bflag:$0x0] =	sbarrier.arrive $0xFFFF  }
0x2b: {  	s31 =	simm.s32 $0x1;
	[sflag:s2] =	ssyncpa.u1 $0x1  }
0x2c: {  	[sflag:s31] =	ssyncpa.u1 $0x1  }
0x2d: {  	p0 =	sne.s32 s1, $0x0;
	_ =	strace $0x90000056  }
0x2e: {  	s0 =	sadd.s32 @!p0 $0x100000, s0;
	[bflag:$0x2] =	sbarrier.arrive $0xFFFF  }
0x2f: {  	[sflag:s0] =	ssyncadd.tile.s32 @!p0 $0x1;
	_ =	shalt  }
.Lfunc_end2:
_tile_overlayer_lowered:
.L_overlay_start_2:
0x30: {  	(tag) =	ssettag $0x2  }
0x31: {  	s0 =	rddreg [dreg:$0x0];
	s2 =	stileid.u32  }
0x32: {  	s1 =	rddreg [dreg:$0x1];
	p0 =	sne.s32 s2, $0x0  }
0x33: {  	s3 =	rddreg [dreg:$0x2];
	[bflag:$0x3] =	sbarrier.arrive $0xFFFF;
	s2 =	simm.s32 @!p0 $0x1C01  }
0x34: {  	[timem:s3], [sflag:s2] =	dma.local @!p0 [hbm:s0], s1  }
0x35: {  	s0 =	simm.s32 @!p0 $0x1  }
0x36: {  	_ =	swait.ge @!p0 [sflag:s0], s1  }
0x37: {  	s1 =	ssub.s32 @!p0 $0x0, s1;
	[sflag:s0] =	ssyncset.done @!p0 $0x0  }
0x38: {  	[sflag:s0] =	ssyncadd.s32 @!p0 s1  }
0x39: {  	[bflag:$0x3] =	sbarrier.arrive $0xFFFF  }
0x3a: {  	_ =	shalt  }

// kernel: scatter_offload_async_start
scs
__scs_entry_jumppad:
0x0: {  	(pc) =	sbr.rel $0x88, $3  }
0x1: {  	(tag) =	ssettag $0x0;
	lr =	simm.s32 $0x1  }
0x2: {  	[smem:$0x3F8D] =	sst lr;
	_ =	strace $0xD0000000  }
0x3: {  	_ = 	snop  }
0x4: {  	_ = 	snop  }
0x5: {  	_ = 	snop  }
0x6: {  	_ = 	snop  }
0x7: {  	_ = 	snop  }
__scs_overlays_trampoline_lowered:
0x8: {  	[smem:$0x3F9C] =	sst s0  }
0x9: {  	[smem:$0x3F9D] =	sst s1  }
0xa: {  	[smem:$0x3F9E] =	sst s2  }
0xb: {  	[smem:$0x3F9F] =	sst s3  }
0xc: {  	[smem:$0x3FA0] =	sst s4  }
0xd: {  	[smem:$0x3FA1] =	sst s5  }
0xe: {  	[smem:$0x3FA2] =	sst s6  }
0xf: {  	[smem:$0x3FA3] =	sst s7  }
0x10: {  	[smem:$0x3FA4] =	sst s8  }
0x11: {  	[smem:$0x3FA5] =	sst s9;
	s0 =	simm.s32 @!p0 $0x0  }
0x12: {  	s1 =	sld [smem:$0x3F8B];
	s0 =	simm.s32 @p0 $0x1  }
0x13: {  	[smem:$0x3FA6] =	sst s0;
	s0 =	simm.s32 @!p1 $0x0  }
0x14: {  	s2 =	sld [smem:$0x3F8A];
	s0 =	simm.s32 @p1 $0x1  }
0x15: {  	[smem:$0x3FA7] =	sst s0;
	s0 =	simm.s32 @!p2 $0x0  }
0x16: {  	s3 =	sld [smem:$0x3FDB];
	s0 =	simm.s32 @p2 $0x1  }
0x17: {  	s4 =	simm.s32 $0x1BF5;
	[smem:$0x3FA9] =	sst s0  }
0x18: {  	s0 =	sld [smem:$0x3F8C];
	_ =	swait.ge [sflag:s4], $0x0  }
0x19: {  	s7 =	sld [smem:$0x3F8D]  }
0x1a: {  	s8 =	sadd.s32 $0xFFFFE003, lr  }
0x1b: {  	s9 =	sadd.s32 $0xFFFFFEF7, lr;
	s5 =	simm.s32 $0xFFFFFFFF;
	p2 =	slt.u32 s8, $0xFFFFF086  }
0x1c: {  	p1 =	slt.u32 s9, $0xF7A;
	s5 =	simm.s32 @!p2 $0x0  }
0x1d: {  	s5 =	simm.s32 @p1 $0x1;
	p0 =	seq.s32 s7, s2  }
0x1e: {  	s7 =	smul.u32 @!p0 $0xF7A, s2;
	p2 =	seq.s32 @!p0 s5, $0x0  }
0x1f: {  	s9 =	smul.u32 $0xF7A, s1;
	s8 =	simm.s32 @!p0 $0x1BF5;
	p2 =	por !p2, p0  }
0x20: {  	[sflag:s8] =	ssyncset.s32 @!p0 $0xFFFFF086;
	s6 =	sadd.s32 @!p0 s3, s7;
	s7 =	simm.s32 @!p0 $0x108  }
0x21: {  	s3 =	sadd.s32 s3, s9;
	s6 =	sadd.s32 @!p0 $0x88, s6;
	s7 =	simm.s32 @p2 $0x1082  }
0x22: {  	[simem:s7], [sflag:s8] =	dma.local @!p0 [hbm:s6], $0xF7A  }
0x23: {  	s9 =	sor.u32 $0xD0000000, s2;
	s6 =	simm.s32 $0x108;
	_ =	swait.ge @!p0 [sflag:s8], $0x0  }
0x24: {  	s3 =	sadd.s32 $0x88, s3;
	s6 =	simm.s32 @!p1 $0x1082;
	[sflag:s4] =	ssyncset.s32 $0xFFFFF086  }
0x25: {  	[simem:s6], [sflag:s4] =	dma.local [hbm:s3], $0xF7A  }
0x26: {  	[smem:$0x3F8D] =	sst s1;
	(tag) =	ssettag s2;
	_ =	strace s9  }
0x27: {  	s1 =	sld [smem:$0x3F9D]  }
0x28: {  	s2 =	sld [smem:$0x3F9E]  }
0x29: {  	s4 =	sld [smem:$0x3FA0]  }
0x2a: {  	p0 =	seq.s32 s5, $0x0;
	s5 =	sld [smem:$0x3FA1]  }
0x2b: {  	s6 =	sld [smem:$0x3FA2]  }
0x2c: {  	s7 =	sld [smem:$0x3FA3]  }
0x2d: {  	s3 =	simm.s32 $0x108;
	s8 =	sld [smem:$0x3FA4]  }
0x2e: {  	s3 =	simm.s32 @!p0 $0x1082;
	s9 =	sld [smem:$0x3FA5]  }
0x2f: {  	lr =	sadd.s32 s0, s3;
	s0 =	sld [smem:$0x3F9C]  }
0x30: {  	s3 =	sld [smem:$0x3F9F]  }
0x31: {  	[smem:$0x3FA8] =	sst s10  }
0x32: {  	s10 =	sld [smem:$0x3FA6];
	_ =	sdelay $0x3  }
0x33: {  	p0 =	seq.s32 s10, $0x1;
	s10 =	sld [smem:$0x3FA8];
	_ =	sdelay $0x3  }
0x34: {  	[smem:$0x3FA8] =	sst s10  }
0x35: {  	s10 =	sld [smem:$0x3FA7];
	_ =	sdelay $0x3  }
0x36: {  	p1 =	seq.s32 s10, $0x1;
	s10 =	sld [smem:$0x3FA8];
	_ =	sdelay $0x3  }
0x37: {  	[smem:$0x3FA8] =	sst s10  }
0x38: {  	s10 =	sld [smem:$0x3FA9]  }
0x39: {  	_ = 	snop;
	(pc) =	sbr.ind lr, $3  }
0x3a: {  	_ = 	snop  }
0x3b: {  	_ = 	snop  }
0x3c: {  	p2 =	seq.s32 s10, $0x1;
	s10 =	sld [smem:$0x3FA8]  }
0x3d: {  	_ =	shalt  }
0x3e: {  	_ =	shalt  }
0x3f: {  	_ =	shalt  }
0x40: {  	_ =	shalt  }
0x41: {  	_ =	shalt  }
0x42: {  	_ =	shalt  }
0x43: {  	_ =	shalt  }
0x44: {  	_ =	shalt  }
0x45: {  	_ =	shalt  }
0x46: {  	_ =	shalt  }
0x47: {  	_ =	shalt  }
0x48: {  	_ =	shalt  }
0x49: {  	_ =	shalt  }
0x4a: {  	_ =	shalt  }
0x4b: {  	_ =	shalt  }
0x4c: {  	_ =	shalt  }
0x4d: {  	_ =	shalt  }
0x4e: {  	_ =	shalt  }
0x4f: {  	_ =	shalt  }
0x50: {  	_ =	shalt  }
0x51: {  	_ =	shalt  }
0x52: {  	_ =	shalt  }
0x53: {  	_ =	shalt  }
0x54: {  	_ =	shalt  }
0x55: {  	_ =	shalt  }
0x56: {  	_ =	shalt  }
0x57: {  	_ =	shalt  }
0x58: {  	_ =	shalt  }
0x59: {  	_ =	shalt  }
0x5a: {  	_ =	shalt  }
0x5b: {  	_ =	shalt  }
0x5c: {  	_ =	shalt  }
0x5d: {  	_ =	shalt  }
0x5e: {  	_ =	shalt  }
0x5f: {  	_ =	shalt  }
0x60: {  	_ =	shalt  }
0x61: {  	_ =	shalt  }
0x62: {  	_ =	shalt  }
0x63: {  	_ =	shalt  }
0x64: {  	_ =	shalt  }
0x65: {  	_ =	shalt  }
0x66: {  	_ =	shalt  }
0x67: {  	_ =	shalt  }
0x68: {  	_ =	shalt  }
0x69: {  	_ =	shalt  }
0x6a: {  	_ =	shalt  }
0x6b: {  	_ =	shalt  }
0x6c: {  	_ =	shalt  }
0x6d: {  	_ =	shalt  }
0x6e: {  	_ =	shalt  }
0x6f: {  	_ =	shalt  }
0x70: {  	_ =	shalt  }
0x71: {  	_ =	shalt  }
0x72: {  	_ =	shalt  }
0x73: {  	_ =	shalt  }
0x74: {  	_ =	shalt  }
0x75: {  	_ =	shalt  }
0x76: {  	_ =	shalt  }
0x77: {  	_ =	shalt  }
0x78: {  	_ =	shalt  }
0x79: {  	_ =	shalt  }
0x7a: {  	_ =	shalt  }
0x7b: {  	_ =	shalt  }
0x7c: {  	_ =	shalt  }
0x7d: {  	_ =	shalt  }
0x7e: {  	_ =	shalt  }
0x7f: {  	_ =	shalt  }
0x80: {  	_ =	shalt  }
0x81: {  	_ =	shalt  }
0x82: {  	_ =	shalt  }
0x83: {  	_ =	shalt  }
0x84: {  	_ =	shalt  }
0x85: {  	_ =	shalt  }
0x86: {  	_ =	shalt  }
0x87: {  	_ =	shalt  }
.Lfunc_end0:
.L_simem_size_0:
called_computation_lowered:
.L_overlay_start_0:
0x88: {  	s2 =	sld [smem:$0x3FD9]  }
0x89: {  	s3 =	sld [smem:$0x3FFE];
	_ =	sdelay $0x1  }
0x8a: {  	s1 =	srdreg.scid  }
0x8b: {  	s0 =	sand.u32 $0x1, s1  }
0x8c: {  	s14 =	sshll.u32 s0, $0xA;
	s2 =	sadd.s32 s3, s2  }
0x8d: {  	s2 =	sadd.s32 s2, s14  }
0x8e: {  	[smem:$0x3FB4] =	sst s2  }
0x8f: {  	_ = 	snop  }
0x90: {  	s2 =	sld [smem:$0x3FD0];
	_ =	sdelay $0x2  }
0x91: {  	s15 =	simm.s32 $0xA;
	s4 =	simm.s32 $0x10  }
0x92: {  	[smem:s4], [sflag:s15] =	dma.local [hbm:s2], $0x1  }
0x93: {  	_ =	swait.eq [sflag:s15], $0x1  }
0x94: {  	[sflag:s15] =	ssyncset.done $0x0  }
0x95: {  	[sflag:s15] =	ssyncadd.s32 $0xFFFFFFFF  }
0x96: {  	s16 =	sld [smem:$0x10];
	(tm) =	ssettm $0x1  }
0x97: {  	s17 =	sld [smem:$0x3FFB];
	_ =	sdelay $0x3  }
0x98: {  	_ =	strace s17  }
0x99: {  	s3 =	sld [smem:$0x3FFC];
	_ =	sdelay $0x3  }
0x9a: {  	_ =	strace s3  }
0x9b: {  	s3 =	sld [smem:$0x3FFD];
	_ =	sdelay $0x3  }
0x9c: {  	_ =	strace s3  }
0x9d: {  	_ =	strace $0x8FFFFFFF  }
0x9e: {  	s18 =	sld [smem:$0x3FDB];
	_ =	sdelay $0x1  }
0x9f: {  	s19 =	simm.s32 $_scs_section_size  }
0xa0: {  	s5 =	simm.s32 $_size__tile_overlayer_lowered;
	s6 =	simm.s32 $_tile_overlayer_lowered  }
0xa1: {  	s22 =	simm.s32 $0x1BFF;
	s21 =	sshll.u32 s6, $0x1;
	s3 =	sadd.s32 s19, s18  }
0xa2: {  	s7 =	simm.s32 $0x0;
	s20 =	sshll.u32 s5, $0x1;
	s5 =	sadd.s32 s21, s3  }
0xa3: {  	[timem:s7], [sflag:s22] =	dma.local [hbm:s5], s20  }
0xa4: {  	_ =	swait.ge [sflag:s22], s20  }
0xa5: {  	s4 =	ssub.s32 $0x0, s20;
	[sflag:s22] =	ssyncset.done $0x0  }
0xa6: {  	[sflag:s22] =	ssyncadd.s32 s4;
	_ =	sdelay $0x1  }
0xa7: {  	s23 =	simm.s32 $0x1B8B  }
0xa8: {  	_ =	swait.ge [sflag:s23], $0x1  }
0xa9: {  	[sflag:s23] =	ssyncset.done $0x0  }
0xaa: {  	s25 =	simm.s32 $0x1B8E;
	s24 =	sld [smem:$0x3FFE];
	[sflag:s23] =	ssyncadd.s32 $0xFFFFFFFF  }
0xab: {  	s26 =	simm.s32 $execute0_lowered;
	[smem:$0x3FD2] =	sst s25  }
0xac: {  	s5 =	sshll.u32 s26, $0x1;
	_ =	strace $0x8000004C;
	[dreg:$0x1] =	wrdreg $0xFFFFFFFF  }
0xad: {  	s28 =	simm.s32 $_size_execute0_lowered;
	s3 =	sadd.s32 s3, s5;
	[dreg:$0x0] =	wrdreg $0x0  }
0xae: {  	s5 =	sshll.u32 s28, $0x1;
	[dreg:$0x2] =	wrdreg s3  }
0xaf: {  	[dreg:$0x3] =	wrdreg s5  }
0xb0: {  	[dreg:$0x4] =	wrdreg $0xC0  }
0xb1: {  	_ =	task [dreg:s7], $0x5FFFF  }
0xb2: {  	[dreg:$0x1] =	wrdreg $0xFFFFFFFF  }
0xb3: {  	[dreg:$0x0] =	wrdreg $0x60  }
0xb4: {  	[dreg:$0x2] =	wrdreg s24  }
0xb5: {  	[dreg:$0x3] =	wrdreg s16  }
0xb6: {  	[dreg:$0x4] =	wrdreg s1  }
0xb7: {  	[dreg:$0x5] =	wrdreg $0x9  }
0xb8: {  	_ =	task.clear_ibuf [dreg:s7], $0x6FFFF;
	_ =	strace $0x9000004C  }
0xb9: {  	s29 =	simm.s32 $0x9;
	_ =	strace $0x8000004E  }
0xba: {  	_ =	swait.ge [sflag:s29], $0x1  }
0xbb: {  	[sflag:s29] =	ssyncadd.s32 $0xFFFFFFFF  }
0xbc: {  	_ =	strace $0x9000004E  }
0xbd: {  	_ =	sfence  }
0xbe: {  	s30 =	sld [smem:$0x0];
	_ =	sdelay $0x2  }
0xbf: {  	s31 =	sshll.u32 s1, $0xD;
	s1 =	sshrl.u32 s1, $0x2  }
0xc0: {  	s3 =	sand.u32 $0x4000, s31;
	s1 =	sadd.s32 s1, s30  }
0xc1: {  	s0 =	sor.u32 s3, s0;
	s1 =	sshll.u32 s1, $0x11  }
0xc2: {  	s0 =	sor.u32 s1, s0  }
0xc3: {  	s0 =	sadd.s32 $0x8F2B, s0  }
0xc4: {  	[sflag:s0] =	ssyncadd.remote.s32 $0x1  }
0xc5: {  	_ =	sfence.sel $0xFFFF  }
0xc6: {  	[dreg:$0x0] =	wrdreg $0xFFFFFFFF;
	(pc) =	sbr.abs _section_cstart, $3  }
0xc7: {  	[dreg:$0x1] =	wrdreg $0xFFFFFFFF  }
0xc8: {  	_ =	task.clear_ibuf [dreg:s7], $0x2FFFF;
	_ =	strace $0x9FFFFFFF  }
0xc9: {  	(tm) =	ssettm $0x7FFFFFFF  }
tec
execute0_lowered:
.L_overlay_start_1:
0x0: {  	(tag) =	ssettag $0x1  }
0x1: {  	s1 =	rddreg [dreg:$0x0]  }
0x2: {  	s0 =	rddreg [dreg:$0x2]  }
0x3: {  	s8 =	rddreg [dreg:$0x1];
	s6 =	simm.s32 $0x2;
	s10 =	simm.s32 $0x40  }
0x4: {  	s11 =	simm.s32 $0x2080;
	s2 =	sshll.u32 s0, $0xD;
	s0 =	rddreg [dreg:$0x3]  }
0x5: {  	_ =	strace $0x8000004D;
	s4 =	sand.u32 $0x2000, s2;
	s2 =	sadd.s32 $0x1800, s1  }
.Ltmp0:
0x6: {  	s3 =	sshrl.u32 s4, $0x3;
	s9 =	sshll.u32 s4, $0x6;
	(pc) =	sbr.rel .LBB2_1-.Ltmp0, $4  }
0x7: {  	s7 =	sadd.s32 s3, s1;
	s3 =	simm.s32 $0x1;
	s1 =	stileid.u32  }
0x8: {  	s8 =	sadd.s32 s9, s8;
	s9 =	simm.s32 $0x0;
	[sflag:s3] =	ssyncpa.u1 $0x0  }
0x9: {  	s4 =	sshll.u32 s1, $0x9;
	(ifvalue) =	ssetifvalue $0x1FC0200;
	[sflag:s6] =	ssyncpa.u1 $0x0  }
0xa: {  	s7 =	sadd.s32 $0x801600, s7;
	s5 =	sadd.s32 $0x200, s4;
	s12 =	smov.u32 s4  }
.LBB2_3:
0xb: {  	s9 =	sadd.s32 $0x1, s9  }
0xc: {  	p1 =	sne.s32 s9, $0x9  }
.Ltmp1:
0xd: {  	_ = 	snop;
	(pc) =	sbr.rel @!p1 .LBB2_4-.Ltmp1, $4  }
0xe: {  	_ = 	snop  }
0xf: {  	s13 =	sadd.s32 $0x40, s12  }
0x10: {  	s12 =	smov.u32 s4;
	p0 =	slt.s32 s13, s5  }
0x11: {  	s12 =	smov.u32 @p0 s13  }
.LBB2_1:
0x12: {  	p0 =	seq.s32 s9, $0x8  }
0x13: {  	s13 =	sand.u32 @!p0 $0x1, s9;
	s15 =	sshrl.u32 @!p0 s12, $0x3;
	p1 =	seq.s32 @!p0 s9, $0x0  }
0x14: {  	s17 =	sand.u32 @!p0 $0x7, s12;
	s14 =	sxor.u32 @!p0 $0x1, s13;
	p1 =	por p0, !p1  }
.Ltmp2:
0x15: {  	s15 =	sadd.s32 @!p0 s15, s7;
	s16 =	sshll.u32 @!p0 s14, $0x6;
	(pc) =	sbr.rel @!p1 .LBB2_3-.Ltmp2, $4  }
0x16: {  	[tilespmem:s16], [sflag:$0x2] =	stream.linear.gather @!p0 [hbm4b:s15+s17], $0x40, $0x38;
	[tilespmem:$0x20C0] =	vst v63  }
0x17: {  	s14 =	sshll.u32 @!p0 s14, $0xC;
	s15 =	sshll.u32 @!p0 s12, $0x6  }
0x18: {  	s14 =	sor.u32 @!p0 $0x80, s14;
	s16 =	simm.s32 @!p0 $0x0;
	s15 =	sadd.s32 @!p0 s15, s8  }
0x19: {  	[tilespmem:s14], [sflag:$0x2] =	stream.linear.gather @!p0 [hbm4b:s15+s16], $0x1000, $0x38;
	[tilespmem:$0x20C0] =	vst v63  }
0x1a: {  	_ =	swait.ge [sflag:s6], $0x1040  }
0x1b: {  	s13 =	simm.s32 @p0 $0x0;
	[sflag:s6] =	ssyncset.done $0x0  }
0x1c: {  	s14 =	sshll.u32 s13, $0x6;
	[sflag:s6] =	ssyncadd.s32 $0xFFFFEFC0  }
0x1d: {  	v0 =	vld.msk [tilespmem:s14+$0x0 ss:$0x1], $0xffff;
	_ =	sdelay $0x4  }
0x1e: {  	v0 =	vshll.u32 v0, $0x9  }
0x1f: {  	v0 =	vmin.u32 v0, $0x1FC0200  }
0x20: {  	v0 =	vshrl.u32 v0, $0x6  }
0x21: {  	s15 =	sor.u32 $0x10, s14;
	[tilespmem:$0x2080] =	vst v0  }
0x22: {  	v0 =	vld.msk [tilespmem:s15+$0x0 ss:$0x1], $0xffff;
	_ =	sdelay $0x4  }
0x23: {  	v0 =	vshll.u32 v0, $0x9  }
0x24: {  	v0 =	vmin.u32 v0, $0x1FC0200  }
0x25: {  	v0 =	vshrl.u32 v0, $0x6  }
0x26: {  	s31 =	sor.u32 $0x20, s14;
	[tilespmem:$0x2090] =	vst v0  }
0x27: {  	v0 =	vld.msk [tilespmem:s31+$0x0 ss:$0x1], $0xffff;
	_ =	sdelay $0x4  }
0x28: {  	v0 =	vshll.u32 v0, $0x9  }
0x29: {  	v0 =	vmin.u32 v0, $0x1FC0200  }
0x2a: {  	v0 =	vshrl.u32 v0, $0x6  }
0x2b: {  	s14 =	sor.u32 $0x30, s14;
	[tilespmem:$0x20A0] =	vst v0  }
0x2c: {  	v0 =	vld.msk [tilespmem:s14+$0x0 ss:$0x1], $0xffff;
	_ =	sdelay $0x4  }
0x2d: {  	v0 =	vshll.u32 v0, $0x9  }
0x2e: {  	v0 =	vmin.u32 v0, $0x1FC0200  }
0x2f: {  	s13 =	sshll.u32 s13, $0xC;
	v0 =	vshrl.u32 v0, $0x6  }
0x30: {  	s13 =	sor.u32 $0x80, s13;
	[tilespmem:$0x20B0] =	vst v0;
	(ifvalue) =	ssetifvalue $0x1FC0200  }
0x31: {  	[hbm:s2] =	stream.indirect.scatter [tilespmem:s13], [sflag:$0x1], $0x40, s11, s10, $0x40b8;
	[tilespmem:$0x20C0] =	vst v63  }
.Ltmp3:
0x32: {  	_ = 	snop;
	(pc) =	sbr.rel .LBB2_3-.Ltmp3, $4  }
0x33: {  	_ =	swait.ge [sflag:s3], $0x1000  }
0x34: {  	[sflag:s3] =	ssyncset.done $0x0  }
0x35: {  	[sflag:s3] =	ssyncadd.s32 $0xFFFFF000  }
0x36: {  	[sflag:s3] =	ssyncpa.u1 $0x1  }
.LBB2_4:
0x37: {  	_ =	sfence.sel $0x180000  }
0x38: {  	s2 =	simm.s32 $0x2;
	[bflag:$0x0] =	sbarrier.arrive $0xFFFF  }
0x39: {  	s31 =	simm.s32 $0x1;
	[sflag:s2] =	ssyncpa.u1 $0x1  }
0x3a: {  	[sflag:s31] =	ssyncpa.u1 $0x1  }
0x3b: {  	p0 =	sne.s32 s1, $0x0;
	_ =	strace $0x9000004D  }
0x3c: {  	s0 =	sadd.s32 @!p0 $0x100000, s0;
	[bflag:$0x2] =	sbarrier.arrive $0xFFFF  }
0x3d: {  	[sflag:s0] =	ssyncadd.tile.s32 @!p0 $0x1;
	_ =	shalt  }
.Lfunc_end2:
_tile_overlayer_lowered:
.L_overlay_start_2:
0x3e: {  	(tag) =	ssettag $0x2  }
0x3f: {  	s0 =	rddreg [dreg:$0x0];
	s2 =	stileid.u32  }
0x40: {  	s1 =	rddreg [dreg:$0x1];
	p0 =	sne.s32 s2, $0x0  }
0x41: {  	s3 =	rddreg [dreg:$0x2];
	[bflag:$0x3] =	sbarrier.arrive $0xFFFF;
	s2 =	simm.s32 @!p0 $0x1C01  }
0x42: {  	[timem:s3], [sflag:s2] =	dma.local @!p0 [hbm:s0], s1  }
0x43: {  	s0 =	simm.s32 @!p0 $0x1  }
0x44: {  	_ =	swait.ge @!p0 [sflag:s0], s1  }
0x45: {  	s1 =	ssub.s32 @!p0 $0x0, s1;
	[sflag:s0] =	ssyncset.done @!p0 $0x0  }
0x46: {  	[sflag:s0] =	ssyncadd.s32 @!p0 s1  }
0x47: {  	[bflag:$0x3] =	sbarrier.arrive $0xFFFF  }
0x48: {  	_ =	shalt  }

// kernel: sparse-core-data-format-call.1.cloned.1.call-start
scs
called_computation.3_lowered:
.L_overlay_start_0:
0x0: {  	s1 =	sld [smem:$0x3FD9]  }
0x1: {  	s2 =	sld [smem:$0x3FFE];
	_ =	sdelay $0x1  }
0x2: {  	s3 =	srdreg.scid  }
0x3: {  	s0 =	sand.u32 $0x1, s3  }
0x4: {  	s17 =	sshll.u32 s0, $0xA;
	s1 =	sadd.s32 s2, s1  }
0x5: {  	s1 =	sadd.s32 s1, s17  }
0x6: {  	[smem:$0x3FB4] =	sst s1  }
0x7: {  	_ = 	snop  }
0x8: {  	(tm) =	ssettm $0x1  }
0x9: {  	s18 =	sld [smem:$0x3FFB];
	_ =	sdelay $0x3  }
0xa: {  	_ =	strace s18  }
0xb: {  	s1 =	sld [smem:$0x3FFC];
	_ =	sdelay $0x3  }
0xc: {  	_ =	strace s1  }
0xd: {  	s1 =	sld [smem:$0x3FFD];
	_ =	sdelay $0x3  }
0xe: {  	_ =	strace s1  }
0xf: {  	_ =	strace $0x8FFFFFFF  }
0x10: {  	s19 =	sld [smem:$0x3FDB];
	_ =	sdelay $0x1  }
0x11: {  	s20 =	simm.s32 $_scs_section_size  }
0x12: {  	s4 =	simm.s32 $_size__tile_overlayer_lowered;
	s5 =	simm.s32 $_tile_overlayer_lowered  }
0x13: {  	s23 =	simm.s32 $0x1BFF;
	s22 =	sshll.u32 s5, $0x1;
	s1 =	sadd.s32 s20, s19  }
0x14: {  	s6 =	simm.s32 $0x0;
	s21 =	sshll.u32 s4, $0x1;
	s4 =	sadd.s32 s22, s1  }
0x15: {  	[timem:s6], [sflag:s23] =	dma.local [hbm:s4], s21  }
0x16: {  	_ =	swait.ge [sflag:s23], s21  }
0x17: {  	s2 =	ssub.s32 $0x0, s21;
	[sflag:s23] =	ssyncset.done $0x0  }
0x18: {  	[sflag:s23] =	ssyncadd.s32 s2;
	_ =	sdelay $0x1  }
0x19: {  	s24 =	simm.s32 $0x1B8B  }
0x1a: {  	_ =	swait.ge [sflag:s24], $0x1  }
0x1b: {  	[sflag:s24] =	ssyncset.done $0x0  }
0x1c: {  	s26 =	simm.s32 $0x1B8E;
	s25 =	sld [smem:$0x3FFE];
	[sflag:s24] =	ssyncadd.s32 $0xFFFFFFFF  }
0x1d: {  	s27 =	simm.s32 $execute0_lowered;
	[smem:$0x3FD2] =	sst s26  }
0x1e: {  	s4 =	sshll.u32 s27, $0x1;
	_ =	strace $0x80000052;
	[dreg:$0x1] =	wrdreg $0xFFFFFFFF  }
0x1f: {  	s28 =	simm.s32 $_size_execute0_lowered;
	s1 =	sadd.s32 s1, s4;
	[dreg:$0x0] =	wrdreg $0x0  }
0x20: {  	s4 =	sshll.u32 s28, $0x1;
	[dreg:$0x2] =	wrdreg s1  }
0x21: {  	[dreg:$0x3] =	wrdreg s4  }
0x22: {  	[dreg:$0x4] =	wrdreg $0xC0  }
0x23: {  	_ =	task [dreg:s6], $0x5FFFF  }
0x24: {  	[dreg:$0x1] =	wrdreg $0xFFFFFFFF  }
0x25: {  	[dreg:$0x0] =	wrdreg $0x60  }
0x26: {  	[dreg:$0x2] =	wrdreg s25  }
0x27: {  	[dreg:$0x3] =	wrdreg $0x9  }
0x28: {  	_ =	task.clear_ibuf [dreg:s6], $0x4FFFF;
	_ =	strace $0x90000052  }
0x29: {  	s29 =	simm.s32 $0x9;
	_ =	strace $0x80000054  }
0x2a: {  	_ =	swait.ge [sflag:s29], $0x1  }
0x2b: {  	[sflag:s29] =	ssyncadd.s32 $0xFFFFFFFF  }
0x2c: {  	_ =	strace $0x90000054  }
0x2d: {  	_ =	sfence  }
0x2e: {  	s30 =	sld [smem:$0x0];
	_ =	sdelay $0x2  }
0x2f: {  	s31 =	sshll.u32 s3, $0xD;
	s3 =	sshrl.u32 s3, $0x2  }
0x30: {  	s2 =	sand.u32 $0x4000, s31;
	s1 =	sadd.s32 s3, s30  }
0x31: {  	s0 =	sor.u32 s2, s0;
	s1 =	sshll.u32 s1, $0x11  }
0x32: {  	s0 =	sor.u32 s1, s0  }
0x33: {  	s0 =	sadd.s32 $0x8F2B, s0  }
0x34: {  	[sflag:s0] =	ssyncadd.remote.s32 $0x1  }
0x35: {  	_ =	sfence.sel $0xFFFF  }
0x36: {  	[dreg:$0x0] =	wrdreg $0xFFFFFFFF;
	(pc) =	sbr.abs _section_cstart, $3  }
0x37: {  	[dreg:$0x1] =	wrdreg $0xFFFFFFFF  }
0x38: {  	_ =	task.clear_ibuf [dreg:s6], $0x2FFFF;
	_ =	strace $0x9FFFFFFF  }
0x39: {  	(tm) =	ssettm $0x7FFFFFFF  }
tec
execute0_lowered:
.L_overlay_start_1:
0x0: {  	(tag) =	ssettag $0x1  }
0x1: {  	s0 =	srdreg.scid;
	s3 =	rddreg [dreg:$0x0];
	s5 =	simm.s32 $0x1  }
0x2: {  	s7 =	simm.s32 $0x2;
	s13 =	simm.s32 $0x0;
	p0 =	por $0x0, $0x0  }
0x3: {  	s8 =	simm.s32 $0x800;
	s14 =	simm.s32 $0x0;
	s1 =	sshll.u32 s0, $0x3  }
0x4: {  	s15 =	simm.s32 $0x0;
	s9 =	simm.s32 $0x0;
	s1 =	sand.u32 $0x8, s1  }
0x5: {  	s0 =	rddreg [dreg:$0x1];
	_ =	strace $0x80000053;
	s6 =	ssub.s32 $0x10, s1  }
.Ltmp0:
0x6: {  	s2 =	sadd.s32 $0x201800, s3;
	s31 =	sshrl.u32 s6, $0x3;
	(pc) =	sbr.rel .LBB1_1-.Ltmp0, $4  }
0x7: {  	s4 =	sadd.s32 $0x401800, s3;
	s6 =	sshrl.u32 s6, $0x4;
	s3 =	sand.u32 $0x1, s31  }
0x8: {  	s11 =	stileid.u32;
	[sflag:s5] =	ssyncpa.u1 $0x0;
	s6 =	sadd.s32 s6, s3  }
0x9: {  	s12 =	simm.s32 $0x0;
	[sflag:s7] =	ssyncpa.u1 $0x0;
	s6 =	sshll.u32 s6, $0x5  }
0xa: {  	s10 =	smov.u32 s1;
	s3 =	stileid.u32;
	s7 =	sor.u32 $0x1, s6  }
.LBB1_7:
0xb: {  	s16 =	sadd.s32 $0x8, s9  }
0xc: {  	s13 =	sadd.s32 $0x10, s10;
	s17 =	smov.u32 s10;
	p2 =	sgt.s32 s16, $0xFF  }
0xd: {  	s17 =	smov.u32 @p2 s13  }
0xe: {  	s19 =	smov.u32 s11;
	s13 =	sadd.s32 $0x10, s11;
	p3 =	sgt.s32 s17, $0xF  }
0xf: {  	s19 =	smov.u32 @p3 s13  }
0x10: {  	s16 =	simm.s32 @p2 $0x0;
	p2 =	sgt.s32 s19, $0xF  }
0x11: {  	p1 =	slt.u32 s12, $0x2;
	s19 =	smov.u32 @p2 s3;
	p2 =	sne.s32 s12, s7  }
.Ltmp1:
0x12: {  	s18 =	simm.s32 @!p1 $0x2;
	(pc) =	sbr.rel @!p2 .LBB1_8-.Ltmp1, $4  }
0x13: {  	s14 =	smov.u32 s10;
	s15 =	smov.u32 s11;
	_ =	swait.ge @!p1 [sflag:s18], $0x4000  }
0x14: {  	p0 =	por !p0, !p0;
	[sflag:s18] =	ssyncset.done @!p1 $0x0;
	s17 =	smov.u32 @p3 s1  }
0x15: {  	s13 =	smov.u32 s9;
	[sflag:s18] =	ssyncadd.s32 @!p1 $0xFFFFC000;
	s9 =	smov.u32 s16  }
0x16: {  	s10 =	smov.u32 s17;
	s12 =	sadd.s32 $0x1, s12;
	s11 =	smov.u32 s19  }
.LBB1_1:
0x17: {  	p1 =	sge.u32 s12, s6  }
0x18: {  	s31 =	sadd.s32 $0xFFFFFFFF, s12;
	s16 =	sxor.u32 @!p1 $0xFFFFFFFF, s12  }
0x19: {  	s17 =	sshll.u32 @!p1 s9, $0x8;
	s18 =	sshll.u32 @!p1 s9, $0x7;
	s19 =	sshll.u32 @!p1 s11, $0x11  }
0x1a: {  	s20 =	sshll.u32 @!p1 s10, $0xD;
	s17 =	sand.u32 @!p1 $0xF800, s17;
	s18 =	sand.u32 @!p1 $0x380, s18  }
0x1b: {  	s16 =	sshll.u32 @!p1 s16, $0xE;
	s17 =	sor.u32 @!p1 s18, s17;
	s18 =	sadd.s32 @!p1 s2, s19  }
0x1c: {  	s16 =	sand.u32 @!p1 $0x4000, s16;
	s17 =	sshrl.u32 @!p1 s17, $0x3;
	s18 =	sadd.s32 @!p1 s20, s18  }
0x1d: {  	s19 =	simm.s32 @!p1 $0x10000;
	s17 =	sadd.s32 @!p1 s17, s18;
	s18 =	simm.s32 @!p1 $0x800  }
0x1e: {  	[tilespmem:s16], [sflag:$0x1] =	stream.strided.gather @!p1 [hbm4b:s17+s18], $0x4000, s19, s18, $0x38;
	[tilespmem:$0x11000] =	vst v63  }
0x1f: {  	p1 =	sge.u32 s31, s6  }
.Ltmp2:
0x20: {  	_ = 	snop;
	(pc) =	sbr.rel @p1 .LBB1_7-.Ltmp2, $1  }
0x21: {  	_ =	sdelay $0x3  }
0x22: {  	s16 =	simm.s32 $0x1;
	s19 =	sand.u32 $0x1, s12  }
0x23: {  	_ =	swait.ge [sflag:s5], $0x4000;
	s16 =	simm.s32 @!p0 $0x0;
	s20 =	smul.u32 $0x12000, s19  }
0x24: {  	s21 =	simm.s32 $0x0;
	[sflag:s5] =	ssyncset.done $0x0;
	s17 =	smul.u32 $0x12000, s16  }
0x25: {  	s19 =	sshll.u32 s19, $0xE;
	s16 =	sshll.u32 s16, $0xE;
	[sflag:s5] =	ssyncadd.s32 $0xFFFFC000  }
0x26: {  	s18 =	sor.u32 $0x410, s16;
	s31 =	sshrl.u32 s20, $0x2;
	s17 =	sshrl.u32 s17, $0x2  }
0x27: {  	s20 =	simm.s32 $0x0;
	s16 =	sor.u32 $0x8000, s31;
	s17 =	sor.u32 $0x8000, s17  }
.LBB1_3:
0x28: {  	s22 =	sshll.u32 s21, $0xB  }
0x29: {  	v2 =	vld [tilespmem:s18+$0xFFFFFBF0];
	v0 =	vmov s22  }
0x2a: {  	v3 =	vld [tilespmem:s18+$0xFFFFFC00]  }
0x2b: {  	s31 =	sand.u32 $0x300, s20;
	v4 =	vld [tilespmem:s18+$0xFFFFFC10]  }
0x2c: {  	s23 =	sand.u32 $0x80, s20;
	v6 =	vld [tilespmem:s18+$0xFFFFFC20];
	s22 =	sadd.s32 s31, s19  }
0x2d: {  	v7 =	vld [tilespmem:s18+$0xFFFFFC30];
	s22 =	sadd.s32 s23, s22  }
0x2e: {  	v1 =	vld.idx.msk [tilespmem:v0+s22+$0x400 ss:$0x1], $0xffff;
	s22 =	sadd.s32 $0x0, s17  }
0x2f: {  	v8 =	vld [tilespmem:s18+$0xFFFFFC40];
	[tilespmem:s22+$0x0 ss:$0x9] =	vst.msk $0xffff, v2  }
0x30: {  	v9 =	vld [tilespmem:s18+$0xFFFFFC50];
	[tilespmem:s22+$0x90 ss:$0x9] =	vst.msk $0xffff, v3  }
0x31: {  	v5 =	vld [tilespmem:s18+$0xFFFFFC60];
	[tilespmem:s22+$0x120 ss:$0x9] =	vst.msk $0xffff, v4  }
0x32: {  	v4 =	vld [tilespmem:s18+$0x0];
	[tilespmem:s22+$0x1B0 ss:$0x9] =	vst.msk $0xffff, v6  }
0x33: {  	v3 =	vld [tilespmem:s18+$0x10];
	[tilespmem:s22+$0x240 ss:$0x9] =	vst.msk $0xffff, v7  }
0x34: {  	[tilespmem:s22+$0x2D0 ss:$0x9] =	vst.msk $0xffff, v8;
	v2 =	vld [tilespmem:s18+$0x30]  }
0x35: {  	s25 =	simm.s32 $0x80;
	s26 =	simm.s32 $0x4800;
	[tilespmem:s22+$0x480 ss:$0x9] =	vst.msk $0xffff, v1;
	v1 =	vld [tilespmem:s18+$0x20]  }
0x36: {  	s24 =	smov.u32 s18;
	s27 =	sand.u32 $0x300, s25;
	s23 =	simm.s32 $0x2400;
	[tilespmem:s22+$0x360 ss:$0x9] =	vst.msk $0xffff, v9;
	v6 =	vld [tilespmem:s18+$0x40]  }
.LBB1_4:
0x37: {  	p1 =	sne.s32 s26, $0xFC00;
	s28 =	sand.u32 $0x80, s25;
	s27 =	sadd.s32 s27, s19;
	[tilespmem:s22+$0x3F0 ss:$0x9] =	vst.msk $0xffff, v5;
	v5 =	vld [tilespmem:s24+$0x50]  }
0x38: {  	s27 =	sadd.s32 s28, s27;
	[tilespmem:s22+$0x510 ss:$0x9] =	vst.msk $0xffff, v4;
	v4 =	vld [tilespmem:s24+$0x60]  }
0x39: {  	s24 =	sadd.s32 $0x80, s24;
	v7 =	vld.idx.msk [tilespmem:v0+s27+$0x400 ss:$0x1], $0xffff;
	[tilespmem:s22+$0x5A0 ss:$0x9] =	vst.msk $0xffff, v3  }
0x3a: {  	v3 =	vld [tilespmem:s24+$0xFFFFFBF0];
	[tilespmem:s22+$0x630 ss:$0x9] =	vst.msk $0xffff, v1  }
0x3b: {  	v1 =	vld [tilespmem:s24+$0xFFFFFC00];
	[tilespmem:s22+$0x6C0 ss:$0x9] =	vst.msk $0xffff, v2  }
0x3c: {  	v2 =	vld [tilespmem:s24+$0xFFFFFC10];
	[tilespmem:s22+$0x750 ss:$0x9] =	vst.msk $0xffff, v6  }
0x3d: {  	s27 =	sshra.s32 s23, $0x2;
	s23 =	smov.u32 s26;
	v6 =	vld [tilespmem:s24+$0xFFFFFC20];
	[tilespmem:s22+$0x7E0 ss:$0x9] =	vst.msk $0xffff, v5  }
0x3e: {  	v8 =	vld [tilespmem:s24+$0xFFFFFC30];
	[tilespmem:s22+$0x870 ss:$0x9] =	vst.msk $0xffff, v4;
	s22 =	sadd.s32 s27, s17  }
0x3f: {  	v9 =	vld [tilespmem:s24+$0xFFFFFC40];
	[tilespmem:s22+$0x480 ss:$0x9] =	vst.msk $0xffff, v7  }
0x40: {  	[tilespmem:s22+$0x0 ss:$0x9] =	vst.msk $0xffff, v3;
	v7 =	vld [tilespmem:s24+$0xFFFFFC50]  }
0x41: {  	[tilespmem:s22+$0x90 ss:$0x9] =	vst.msk $0xffff, v1;
	v5 =	vld [tilespmem:s24+$0xFFFFFC60]  }
.Ltmp3:
0x42: {  	[tilespmem:s22+$0x120 ss:$0x9] =	vst.msk $0xffff, v2;
	v4 =	vld [tilespmem:s24+$0x0];
	(pc) =	sbr.rel @p1 .LBB1_4-.Ltmp3, $4  }
0x43: {  	[tilespmem:s22+$0x1B0 ss:$0x9] =	vst.msk $0xffff, v6;
	v3 =	vld [tilespmem:s24+$0x10]  }
0x44: {  	[tilespmem:s22+$0x240 ss:$0x9] =	vst.msk $0xffff, v8;
	v1 =	vld [tilespmem:s24+$0x20]  }
0x45: {  	s25 =	sadd.s32 $0x80, s25;
	[tilespmem:s22+$0x2D0 ss:$0x9] =	vst.msk $0xffff, v9;
	v2 =	vld [tilespmem:s24+$0x30]  }
0x46: {  	s26 =	sadd.s32 $0x2400, s26;
	s27 =	sand.u32 $0x300, s25;
	[tilespmem:s22+$0x360 ss:$0x9] =	vst.msk $0xffff, v7;
	v6 =	vld [tilespmem:s24+$0x40]  }
0x47: {  	[tilespmem:s22+$0x3F0 ss:$0x9] =	vst.msk $0xffff, v5  }
0x48: {  	v47 =	vld [tilespmem:s24+$0x50];
	[tilespmem:s22+$0x510 ss:$0x9] =	vst.msk $0xffff, v4  }
0x49: {  	v48 =	vld [tilespmem:s24+$0x60];
	s31 =	sadd.s32 $0x80, s24;
	[tilespmem:s22+$0x5A0 ss:$0x9] =	vst.msk $0xffff, v3  }
0x4a: {  	v49 =	vld [tilespmem:s31+$0xFFFFFBF0];
	[tilespmem:s22+$0x630 ss:$0x9] =	vst.msk $0xffff, v1  }
0x4b: {  	v50 =	vld [tilespmem:s31+$0xFFFFFC00];
	[tilespmem:s22+$0x6C0 ss:$0x9] =	vst.msk $0xffff, v2  }
0x4c: {  	v51 =	vld [tilespmem:s31+$0xFFFFFC10];
	[tilespmem:s22+$0x750 ss:$0x9] =	vst.msk $0xffff, v6  }
0x4d: {  	s23 =	sshra.s32 s23, $0x2;
	v52 =	vld [tilespmem:s31+$0xFFFFFC20];
	[tilespmem:s22+$0x7E0 ss:$0x9] =	vst.msk $0xffff, v47  }
0x4e: {  	s23 =	sadd.s32 s23, s17;
	v53 =	vld [tilespmem:s31+$0xFFFFFC30];
	[tilespmem:s22+$0x870 ss:$0x9] =	vst.msk $0xffff, v48  }
0x4f: {  	v54 =	vld [tilespmem:s31+$0xFFFFFC40];
	[tilespmem:s23+$0x0 ss:$0x9] =	vst.msk $0xffff, v49  }
0x50: {  	v55 =	vld [tilespmem:s31+$0xFFFFFC50];
	[tilespmem:s23+$0x90 ss:$0x9] =	vst.msk $0xffff, v50  }
0x51: {  	v56 =	vld [tilespmem:s31+$0xFFFFFC60];
	[tilespmem:s23+$0x120 ss:$0x9] =	vst.msk $0xffff, v51  }
0x52: {  	v57 =	vld [tilespmem:s31+$0x0];
	[tilespmem:s23+$0x1B0 ss:$0x9] =	vst.msk $0xffff, v52  }
0x53: {  	v58 =	vld [tilespmem:s31+$0x10];
	[tilespmem:s23+$0x240 ss:$0x9] =	vst.msk $0xffff, v53  }
0x54: {  	v59 =	vld [tilespmem:s31+$0x20];
	[tilespmem:s23+$0x2D0 ss:$0x9] =	vst.msk $0xffff, v54  }
0x55: {  	v60 =	vld [tilespmem:s31+$0x30];
	[tilespmem:s23+$0x360 ss:$0x9] =	vst.msk $0xffff, v55  }
0x56: {  	v61 =	vld [tilespmem:s31+$0x40];
	[tilespmem:s23+$0x3F0 ss:$0x9] =	vst.msk $0xffff, v56  }
0x57: {  	s25 =	sand.u32 $0x80, s25;
	s26 =	sadd.s32 s27, s19;
	v62 =	vld [tilespmem:s31+$0x50];
	[tilespmem:s23+$0x510 ss:$0x9] =	vst.msk $0xffff, v57  }
0x58: {  	s21 =	sadd.s32 $0x1, s21;
	s25 =	sadd.s32 s25, s26;
	v63 =	vld [tilespmem:s31+$0x60];
	[tilespmem:s23+$0x5A0 ss:$0x9] =	vst.msk $0xffff, v58  }
0x59: {  	p1 =	sne.s32 s21, $0x8;
	v0 =	vld.idx.msk [tilespmem:v0+s25+$0x400 ss:$0x1], $0xffff;
	[tilespmem:s23+$0x630 ss:$0x9] =	vst.msk $0xffff, v59  }
.Ltmp4:
0x5a: {  	[tilespmem:s23+$0x6C0 ss:$0x9] =	vst.msk $0xffff, v60;
	(pc) =	sbr.rel @p1 .LBB1_3-.Ltmp4, $4  }
0x5b: {  	[tilespmem:s23+$0x750 ss:$0x9] =	vst.msk $0xffff, v61  }
0x5c: {  	[tilespmem:s23+$0x7E0 ss:$0x9] =	vst.msk $0xffff, v62  }
0x5d: {  	[tilespmem:s23+$0x870 ss:$0x9] =	vst.msk $0xffff, v63  }
0x5e: {  	s18 =	sadd.s32 $0x800, s18;
	s17 =	sadd.s32 $0x1, s17;
	[tilespmem:s23+$0x480 ss:$0x9] =	vst.msk $0xffff, v0  }
0x5f: {  	s15 =	sshll.u32 s15, $0x7;
	s17 =	sshll.u32 s14, $0x3  }
0x60: {  	s13 =	sshll.u32 s13, $0x10;
	s18 =	sand.u32 $0x400, s15;
	s17 =	sand.u32 $0x400, s17  }
0x61: {  	s30 =	sshrl.u32 s14, $0x3;
	s15 =	sand.u32 $0x380, s15;
	s17 =	sadd.s32 s18, s17  }
.Ltmp5:
0x62: {  	s31 =	sand.u32 $0x7, s14;
	s15 =	sor.u32 s15, s17;
	(pc) =	sbr.rel .LBB1_7-.Ltmp5, $4  }
0x63: {  	s13 =	sadd.s32 s4, s13;
	s17 =	sand.u32 $0xF, s30;
	s15 =	sshrl.u32 s15, $0x3  }
0x64: {  	s14 =	sshll.u32 s31, $0x12;
	s13 =	sadd.s32 s17, s13;
	s15 =	sand.u32 $0xF0, s15  }
0x65: {  	s14 =	sor.u32 $0x8, s14;
	s13 =	sadd.s32 s15, s13  }
0x66: {  	[hbm4b:s13+s14] =	stream.strided.scatter [tilespmem:s16], [sflag:$0x2], $0x4000, s8, s14, $0x0;
	[tilespmem:$0x11000] =	vst v63  }
.LBB1_8:
0x67: {  	_ =	sfence.sel $0x180000  }
0x68: {  	s1 =	simm.s32 $0x1;
	[bflag:$0x0] =	sbarrier.arrive $0xFFFF  }
0x69: {  	s31 =	simm.s32 $0x2;
	[sflag:s1] =	ssyncpa.u1 $0x1  }
0x6a: {  	[sflag:s31] =	ssyncpa.u1 $0x1  }
0x6b: {  	p0 =	sne.s32 s3, $0x0;
	_ =	strace $0x90000053  }
0x6c: {  	s0 =	sadd.s32 @!p0 $0x100000, s0;
	[bflag:$0x2] =	sbarrier.arrive $0xFFFF  }
0x6d: {  	[sflag:s0] =	ssyncadd.tile.s32 @!p0 $0x1;
	_ =	shalt  }
.Lfunc_end1:
_tile_overlayer_lowered:
.L_overlay_start_2:
0x6e: {  	(tag) =	ssettag $0x2  }
0x6f: {  	s0 =	rddreg [dreg:$0x0];
	s2 =	stileid.u32  }
0x70: {  	s1 =	rddreg [dreg:$0x1];
	p0 =	sne.s32 s2, $0x0  }
0x71: {  	s3 =	rddreg [dreg:$0x2];
	[bflag:$0x3] =	sbarrier.arrive $0xFFFF;
	s2 =	simm.s32 @!p0 $0x1C01  }
0x72: {  	[timem:s3], [sflag:s2] =	dma.local @!p0 [hbm:s0], s1  }
0x73: {  	s0 =	simm.s32 @!p0 $0x1  }
0x74: {  	_ =	swait.ge @!p0 [sflag:s0], s1  }
0x75: {  	s1 =	ssub.s32 @!p0 $0x0, s1;
	[sflag:s0] =	ssyncset.done @!p0 $0x0  }
0x76: {  	[sflag:s0] =	ssyncadd.s32 @!p0 s1  }
0x77: {  	[bflag:$0x3] =	sbarrier.arrive $0xFFFF  }
0x78: {  	_ =	shalt  }

// kernel: sparse-core-data-format-call.2.cloned.1.call-start
scs
called_computation.4_lowered:
.L_overlay_start_0:
0x0: {  	s1 =	sld [smem:$0x3FD9]  }
0x1: {  	s2 =	sld [smem:$0x3FFE];
	_ =	sdelay $0x1  }
0x2: {  	s3 =	srdreg.scid  }
0x3: {  	s0 =	sand.u32 $0x1, s3  }
0x4: {  	s17 =	sshll.u32 s0, $0xA;
	s1 =	sadd.s32 s2, s1  }
0x5: {  	s1 =	sadd.s32 s1, s17  }
0x6: {  	[smem:$0x3FB4] =	sst s1  }
0x7: {  	_ = 	snop  }
0x8: {  	(tm) =	ssettm $0x1  }
0x9: {  	s18 =	sld [smem:$0x3FFB];
	_ =	sdelay $0x3  }
0xa: {  	_ =	strace s18  }
0xb: {  	s1 =	sld [smem:$0x3FFC];
	_ =	sdelay $0x3  }
0xc: {  	_ =	strace s1  }
0xd: {  	s1 =	sld [smem:$0x3FFD];
	_ =	sdelay $0x3  }
0xe: {  	_ =	strace s1  }
0xf: {  	_ =	strace $0x8FFFFFFF  }
0x10: {  	s19 =	sld [smem:$0x3FDB];
	_ =	sdelay $0x1  }
0x11: {  	s20 =	simm.s32 $_scs_section_size  }
0x12: {  	s4 =	simm.s32 $_size__tile_overlayer_lowered;
	s5 =	simm.s32 $_tile_overlayer_lowered  }
0x13: {  	s23 =	simm.s32 $0x1BFF;
	s22 =	sshll.u32 s5, $0x1;
	s1 =	sadd.s32 s20, s19  }
0x14: {  	s6 =	simm.s32 $0x0;
	s21 =	sshll.u32 s4, $0x1;
	s4 =	sadd.s32 s22, s1  }
0x15: {  	[timem:s6], [sflag:s23] =	dma.local [hbm:s4], s21  }
0x16: {  	_ =	swait.ge [sflag:s23], s21  }
0x17: {  	s2 =	ssub.s32 $0x0, s21;
	[sflag:s23] =	ssyncset.done $0x0  }
0x18: {  	[sflag:s23] =	ssyncadd.s32 s2;
	_ =	sdelay $0x1  }
0x19: {  	s24 =	simm.s32 $0x1B8B  }
0x1a: {  	_ =	swait.ge [sflag:s24], $0x1  }
0x1b: {  	[sflag:s24] =	ssyncset.done $0x0  }
0x1c: {  	s26 =	simm.s32 $0x1B8E;
	s25 =	sld [smem:$0x3FFE];
	[sflag:s24] =	ssyncadd.s32 $0xFFFFFFFF  }
0x1d: {  	s27 =	simm.s32 $execute0_lowered;
	[smem:$0x3FD2] =	sst s26  }
0x1e: {  	s4 =	sshll.u32 s27, $0x1;
	_ =	strace $0x8000004F;
	[dreg:$0x1] =	wrdreg $0xFFFFFFFF  }
0x1f: {  	s28 =	simm.s32 $_size_execute0_lowered;
	s1 =	sadd.s32 s1, s4;
	[dreg:$0x0] =	wrdreg $0x0  }
0x20: {  	s4 =	sshll.u32 s28, $0x1;
	[dreg:$0x2] =	wrdreg s1  }
0x21: {  	[dreg:$0x3] =	wrdreg s4  }
0x22: {  	[dreg:$0x4] =	wrdreg $0xC0  }
0x23: {  	_ =	task [dreg:s6], $0x5FFFF  }
0x24: {  	[dreg:$0x1] =	wrdreg $0xFFFFFFFF  }
0x25: {  	[dreg:$0x0] =	wrdreg $0x60  }
0x26: {  	[dreg:$0x2] =	wrdreg s25  }
0x27: {  	[dreg:$0x3] =	wrdreg $0x9  }
0x28: {  	_ =	task.clear_ibuf [dreg:s6], $0x4FFFF;
	_ =	strace $0x9000004F  }
0x29: {  	s29 =	simm.s32 $0x9;
	_ =	strace $0x80000051  }
0x2a: {  	_ =	swait.ge [sflag:s29], $0x1  }
0x2b: {  	[sflag:s29] =	ssyncadd.s32 $0xFFFFFFFF  }
0x2c: {  	_ =	strace $0x90000051  }
0x2d: {  	_ =	sfence  }
0x2e: {  	s30 =	sld [smem:$0x0];
	_ =	sdelay $0x2  }
0x2f: {  	s31 =	sshll.u32 s3, $0xD;
	s3 =	sshrl.u32 s3, $0x2  }
0x30: {  	s2 =	sand.u32 $0x4000, s31;
	s1 =	sadd.s32 s3, s30  }
0x31: {  	s0 =	sor.u32 s2, s0;
	s1 =	sshll.u32 s1, $0x11  }
0x32: {  	s0 =	sor.u32 s1, s0  }
0x33: {  	s0 =	sadd.s32 $0x8F2B, s0  }
0x34: {  	[sflag:s0] =	ssyncadd.remote.s32 $0x1  }
0x35: {  	_ =	sfence.sel $0xFFFF  }
0x36: {  	[dreg:$0x0] =	wrdreg $0xFFFFFFFF;
	(pc) =	sbr.abs _section_cstart, $3  }
0x37: {  	[dreg:$0x1] =	wrdreg $0xFFFFFFFF  }
0x38: {  	_ =	task.clear_ibuf [dreg:s6], $0x2FFFF;
	_ =	strace $0x9FFFFFFF  }
0x39: {  	(tm) =	ssettm $0x7FFFFFFF  }
tec
execute0_lowered:
.L_overlay_start_1:
0x0: {  	(tag) =	ssettag $0x1  }
0x1: {  	s0 =	srdreg.scid;
	s13 =	rddreg [dreg:$0x0]  }
0x2: {  	s1 =	stileid.u32;
	s5 =	simm.s32 $0x1;
	s6 =	simm.s32 $0x2  }
0x3: {  	s10 =	simm.s32 $0x1;
	s20 =	simm.s32 $0x0;
	s15 =	simm.s32 $0x10000  }
0x4: {  	s21 =	simm.s32 $0x0;
	s22 =	simm.s32 $0x0;
	s2 =	sshll.u32 s0, $0x4  }
0x5: {  	s16 =	simm.s32 $0x0;
	s17 =	simm.s32 $0x0;
	s3 =	sand.u32 $0x10, s2  }
0x6: {  	s19 =	simm.s32 $0x0;
	s0 =	rddreg [dreg:$0x1];
	s4 =	sor.u32 s1, s3  }
0x7: {  	_ =	strace $0x80000050;
	s8 =	sadd.s32 $0x429A00, s13;
	s4 =	sshll.u32 s4, $0x3  }
0x8: {  	s12 =	sadd.s32 $0x459A00, s13;
	s2 =	sadd.s32 $0x3F9A00, s13;
	s7 =	ssub.s32 $0x100, s4  }
0x9: {  	[sflag:s5] =	ssyncpa.u1 $0x0;
	s3 =	sadd.s32 $0x1800, s13;
	s31 =	sand.u32 $0xF8, s7  }
.Ltmp0:
0xa: {  	[sflag:s6] =	ssyncpa.u1 $0x0;
	p0 =	sne.s32 s31, $0x0;
	(pc) =	sbr.rel .LBB1_1-.Ltmp0, $4  }
0xb: {  	s6 =	sadd.s32 $0x409A00, s13;
	s9 =	sshrl.u32 s7, $0x8;
	s10 =	simm.s32 @!p0 $0x0  }
0xc: {  	s18 =	smov.u32 s4;
	s7 =	sadd.s32 $0x419A00, s13;
	s11 =	sadd.s32 s10, s9  }
0xd: {  	p0 =	por $0x0, $0x0;
	s9 =	sadd.s32 $0x439A00, s13;
	s11 =	sshll.u32 s11, $0x5  }
0xe: {  	s10 =	sadd.s32 $0x449A00, s13;
	s13 =	sadd.s32 $0x469A00, s13;
	s14 =	sor.u32 $0x1, s11  }
.LBB1_7:
0xf: {  	s23 =	sadd.s32 $0x1, s16  }
0x10: {  	s20 =	sadd.s32 $0x80, s17;
	s24 =	smov.u32 s17;
	p2 =	sgt.s32 s23, $0xF  }
0x11: {  	s24 =	smov.u32 @p2 s20  }
0x12: {  	s26 =	smov.u32 s18;
	s20 =	sadd.s32 $0x100, s18;
	p3 =	sgt.s32 s24, $0xFF  }
0x13: {  	s26 =	smov.u32 @p3 s20  }
0x14: {  	s23 =	simm.s32 @p2 $0x0;
	p2 =	sgt.s32 s26, $0xFF  }
0x15: {  	p1 =	slt.u32 s19, $0x2;
	s26 =	smov.u32 @p2 s4;
	p2 =	sne.s32 s19, s14  }
.Ltmp1:
0x16: {  	s25 =	simm.s32 @!p1 $0x2;
	(pc) =	sbr.rel @!p2 .LBB1_8-.Ltmp1, $4  }
0x17: {  	s21 =	smov.u32 s17;
	s22 =	smov.u32 s18;
	_ =	swait.ge @!p1 [sflag:s25], $0x4000  }
0x18: {  	p0 =	por !p0, !p0;
	[sflag:s25] =	ssyncset.done @!p1 $0x0;
	s24 =	simm.s32 @p3 $0x0  }
0x19: {  	s20 =	smov.u32 s16;
	[sflag:s25] =	ssyncadd.s32 @!p1 $0xFFFFC000;
	s16 =	smov.u32 s23  }
0x1a: {  	s17 =	smov.u32 s24;
	s19 =	sadd.s32 $0x1, s19;
	s18 =	smov.u32 s26  }
.LBB1_1:
0x1b: {  	p1 =	sge.u32 s19, s11  }
0x1c: {  	s23 =	sxor.u32 @!p1 $0xFFFFFFFF, s19;
	s24 =	sshll.u32 @!p1 s18, $0x10;
	s25 =	sshll.u32 @!p1 s17, $0x8  }
0x1d: {  	s27 =	sshll.u32 @!p1 s16, $0x4;
	s28 =	simm.s32 @!p1 $0x10;
	s26 =	sadd.s32 @!p1 s24, s25  }
0x1e: {  	s23 =	sshll.u32 @!p1 s23, $0xE;
	s27 =	sand.u32 @!p1 $0xF0, s27;
	s26 =	sadd.s32 @!p1 s2, s26  }
0x1f: {  	s29 =	simm.s32 @!p1 $0x800;
	s23 =	sand.u32 @!p1 $0x4000, s23;
	s26 =	sadd.s32 @!p1 s27, s26  }
0x20: {  	[tilespmem:s23], [sflag:$0x1] =	stream.strided.gather @!p1 [hbm4b:s26+s28], $0x800, s29, s28, $0x38;
	[tilespmem:$0x10100] =	vst v63  }
0x21: {  	s26 =	sadd.s32 @!p1 s24, s6  }
0x22: {  	s26 =	sadd.s32 @!p1 s25, s26  }
0x23: {  	s30 =	sor.u32 @!p1 $0x800, s23;
	s26 =	sadd.s32 @!p1 s27, s26  }
0x24: {  	[tilespmem:s30], [sflag:$0x1] =	stream.strided.gather @!p1 [hbm4b:s26+s28], $0x800, s29, s28, $0x38;
	[tilespmem:$0x10100] =	vst v63  }
0x25: {  	s26 =	sadd.s32 @!p1 s24, s7  }
0x26: {  	s26 =	sadd.s32 @!p1 s25, s26  }
0x27: {  	s30 =	sor.u32 @!p1 $0x1000, s23;
	s26 =	sadd.s32 @!p1 s27, s26  }
0x28: {  	[tilespmem:s30], [sflag:$0x1] =	stream.strided.gather @!p1 [hbm4b:s26+s28], $0x800, s29, s28, $0x38;
	[tilespmem:$0x10100] =	vst v63  }
0x29: {  	s26 =	sadd.s32 @!p1 s24, s8  }
0x2a: {  	s26 =	sadd.s32 @!p1 s25, s26  }
0x2b: {  	s30 =	sor.u32 @!p1 $0x1800, s23;
	s26 =	sadd.s32 @!p1 s27, s26  }
0x2c: {  	[tilespmem:s30], [sflag:$0x1] =	stream.strided.gather @!p1 [hbm4b:s26+s28], $0x800, s29, s28, $0x38;
	[tilespmem:$0x10100] =	vst v63  }
0x2d: {  	s26 =	sadd.s32 @!p1 s24, s9  }
0x2e: {  	s26 =	sadd.s32 @!p1 s25, s26  }
0x2f: {  	s30 =	sor.u32 @!p1 $0x2000, s23;
	s26 =	sadd.s32 @!p1 s27, s26  }
0x30: {  	[tilespmem:s30], [sflag:$0x1] =	stream.strided.gather @!p1 [hbm4b:s26+s28], $0x800, s29, s28, $0x38;
	[tilespmem:$0x10100] =	vst v63  }
0x31: {  	s26 =	sadd.s32 @!p1 s24, s10  }
0x32: {  	s26 =	sadd.s32 @!p1 s25, s26  }
0x33: {  	s30 =	sor.u32 @!p1 $0x2800, s23;
	s26 =	sadd.s32 @!p1 s27, s26  }
0x34: {  	[tilespmem:s30], [sflag:$0x1] =	stream.strided.gather @!p1 [hbm4b:s26+s28], $0x800, s29, s28, $0x38;
	[tilespmem:$0x10100] =	vst v63  }
0x35: {  	s26 =	sadd.s32 @!p1 s24, s12  }
0x36: {  	s24 =	sadd.s32 @!p1 s24, s13;
	s26 =	sadd.s32 @!p1 s25, s26  }
0x37: {  	s30 =	sor.u32 @!p1 $0x3000, s23;
	s24 =	sadd.s32 @!p1 s25, s24;
	s26 =	sadd.s32 @!p1 s27, s26  }
0x38: {  	[tilespmem:s30], [sflag:$0x1] =	stream.strided.gather @!p1 [hbm4b:s26+s28], $0x800, s29, s28, $0x38;
	[tilespmem:$0x10100] =	vst v63  }
0x39: {  	s31 =	sadd.s32 $0xFFFFFFFF, s19;
	s23 =	sor.u32 @!p1 $0x3800, s23;
	s24 =	sadd.s32 @!p1 s27, s24  }
0x3a: {  	[tilespmem:s23], [sflag:$0x1] =	stream.strided.gather @!p1 [hbm4b:s24+s28], $0x800, s29, s28, $0x38;
	[tilespmem:$0x10100] =	vst v63  }
0x3b: {  	p1 =	sge.u32 s31, s11  }
.Ltmp2:
0x3c: {  	_ = 	snop;
	(pc) =	sbr.rel @p1 .LBB1_7-.Ltmp2, $1  }
0x3d: {  	_ =	sdelay $0x3  }
0x3e: {  	s23 =	simm.s32 $0x1;
	s24 =	sand.u32 $0x1, s19  }
0x3f: {  	s23 =	simm.s32 @!p0 $0x0;
	s26 =	smul.u32 $0x10200, s24  }
0x40: {  	_ =	swait.ge [sflag:s5], $0x4000;
	s25 =	smul.u32 $0x10200, s23  }
0x41: {  	[sflag:s5] =	ssyncset.done $0x0;
	s24 =	sshll.u32 s23, $0xE  }
0x42: {  	[sflag:s5] =	ssyncadd.s32 $0xFFFFC000;
	s31 =	sshrl.u32 s26, $0x2;
	s30 =	sshrl.u32 s25, $0x2  }
0x43: {  	s26 =	simm.s32 $0x0;
	s23 =	sor.u32 $0x8000, s31;
	s25 =	sor.u32 $0x8000, s30  }
.LBB1_3:
0x44: {  	v0 =	vmov s24;
	_ =	sdelay $0x3  }
0x45: {  	s27 =	simm.s32 $0x0  }
0x46: {  	v1 =	vld.idx.msk [tilespmem:v0+s27+$0x0 ss:$0x1], $0xffff;
	_ =	sdelay $0x2  }
0x47: {  	s28 =	simm.s32 $0x40;
	s27 =	smov.u32 s25  }
.LBB1_4:
0x48: {  	s29 =	sshra.s32 s28, $0x2;
	p1 =	sne.s32 s28, $0x1FC0;
	s28 =	sadd.s32 $0x40, s28  }
.Ltmp3:
0x49: {  	[tilespmem:s27+$0x0 ss:$0x408] =	vst.msk $0xffff, v1;
	v1 =	vld.idx.msk [tilespmem:v0+s29+$0x0 ss:$0x1], $0xffff;
	(pc) =	sbr.rel @p1 .LBB1_4-.Ltmp3, $2  }
0x4a: {  	_ =	sdelay $0x2  }
0x4b: {  	s27 =	sadd.s32 $0x1, s27  }
0x4c: {  	s26 =	sadd.s32 $0x1, s26  }
0x4d: {  	p1 =	sne.s32 s26, $0x8  }
.Ltmp4:
0x4e: {  	_ = 	snop;
	(pc) =	sbr.rel @p1 .LBB1_3-.Ltmp4, $2  }
0x4f: {  	_ =	sdelay $0x2  }
0x50: {  	[tilespmem:s27+$0x0 ss:$0x408] =	vst.msk $0xffff, v1;
	s24 =	sadd.s32 $0x800, s24;
	s25 =	sadd.s32 $0x81, s25  }
0x51: {  	s24 =	sshll.u32 s22, $0x8;
	s25 =	sshll.u32 s21, $0x3  }
0x52: {  	s29 =	sshll.u32 s22, $0x7;
	s26 =	sand.u32 $0x78, s21;
	s20 =	sshll.u32 s20, $0x11  }
0x53: {  	s31 =	sand.u32 $0x7, s21;
	s24 =	sand.u32 $0xF800, s24;
	s25 =	sand.u32 $0xFC00, s25  }
0x54: {  	s30 =	sand.u32 $0x300, s29;
	s22 =	sand.u32 $0x80, s29;
	s24 =	sadd.s32 s24, s25  }
.Ltmp5:
0x55: {  	s22 =	sor.u32 s26, s22;
	s24 =	sor.u32 s30, s24;
	(pc) =	sbr.rel .LBB1_7-.Ltmp5, $4  }
0x56: {  	s20 =	sadd.s32 s3, s20;
	s22 =	sshrl.u32 s22, $0x3;
	s24 =	sshrl.u32 s24, $0x3  }
0x57: {  	s21 =	sshll.u32 s31, $0x12;
	s20 =	sadd.s32 s22, s20;
	s24 =	sand.u32 $0x1FE0, s24  }
0x58: {  	s21 =	sor.u32 $0x400, s21;
	s20 =	sadd.s32 s24, s20  }
0x59: {  	[hbm4b:s20+s21] =	stream.strided.scatter [tilespmem:s23], [sflag:$0x2], $0x4000, s15, s21, $0x20;
	[tilespmem:$0x10100] =	vst v63  }
.LBB1_8:
0x5a: {  	_ =	sfence.sel $0x180000  }
0x5b: {  	s2 =	simm.s32 $0x1;
	[bflag:$0x0] =	sbarrier.arrive $0xFFFF  }
0x5c: {  	s31 =	simm.s32 $0x2;
	[sflag:s2] =	ssyncpa.u1 $0x1  }
0x5d: {  	[sflag:s31] =	ssyncpa.u1 $0x1  }
0x5e: {  	p0 =	sne.s32 s1, $0x0;
	_ =	strace $0x90000050  }
0x5f: {  	s0 =	sadd.s32 @!p0 $0x100000, s0;
	[bflag:$0x2] =	sbarrier.arrive $0xFFFF  }
0x60: {  	[sflag:s0] =	ssyncadd.tile.s32 @!p0 $0x1;
	_ =	shalt  }
.Lfunc_end1:
_tile_overlayer_lowered:
.L_overlay_start_2:
0x61: {  	(tag) =	ssettag $0x2  }
0x62: {  	s0 =	rddreg [dreg:$0x0];
	s2 =	stileid.u32  }
0x63: {  	s1 =	rddreg [dreg:$0x1];
	p0 =	sne.s32 s2, $0x0  }
0x64: {  	s3 =	rddreg [dreg:$0x2];
	[bflag:$0x3] =	sbarrier.arrive $0xFFFF;
	s2 =	simm.s32 @!p0 $0x1C01  }
0x65: {  	[timem:s3], [sflag:s2] =	dma.local @!p0 [hbm:s0], s1  }
0x66: {  	s0 =	simm.s32 @!p0 $0x1  }
0x67: {  	_ =	swait.ge @!p0 [sflag:s0], s1  }
0x68: {  	s1 =	ssub.s32 @!p0 $0x0, s1;
	[sflag:s0] =	ssyncset.done @!p0 $0x0  }
0x69: {  	[sflag:s0] =	ssyncadd.s32 @!p0 s1  }
0x6a: {  	[bflag:$0x3] =	sbarrier.arrive $0xFFFF  }
0x6b: {  	_ =	shalt  }

// kernel: sparse-core-data-format-call.3.cloned.1.call-start
scs
called_computation.5_lowered:
.L_overlay_start_0:
0x0: {  	s2 =	sld [smem:$0x3FD9]  }
0x1: {  	s3 =	sld [smem:$0x3FFE];
	_ =	sdelay $0x1  }
0x2: {  	s1 =	srdreg.scid  }
0x3: {  	s0 =	sand.u32 $0x1, s1  }
0x4: {  	s15 =	sshll.u32 s0, $0xA;
	s2 =	sadd.s32 s3, s2  }
0x5: {  	s2 =	sadd.s32 s2, s15  }
0x6: {  	[smem:$0x3FB4] =	sst s2  }
0x7: {  	_ = 	snop  }
0x8: {  	s2 =	sld [smem:$0x3FD0];
	_ =	sdelay $0x2  }
0x9: {  	s16 =	simm.s32 $0xA;
	s4 =	simm.s32 $0x10  }
0xa: {  	[smem:s4], [sflag:s16] =	dma.local [hbm:s2], $0x1  }
0xb: {  	_ =	swait.eq [sflag:s16], $0x1  }
0xc: {  	[sflag:s16] =	ssyncset.done $0x0  }
0xd: {  	[sflag:s16] =	ssyncadd.s32 $0xFFFFFFFF  }
0xe: {  	s17 =	sld [smem:$0x10];
	(tm) =	ssettm $0x1  }
0xf: {  	s18 =	sld [smem:$0x3FFB];
	_ =	sdelay $0x3  }
0x10: {  	_ =	strace s18  }
0x11: {  	s3 =	sld [smem:$0x3FFC];
	_ =	sdelay $0x3  }
0x12: {  	_ =	strace s3  }
0x13: {  	s3 =	sld [smem:$0x3FFD];
	_ =	sdelay $0x3  }
0x14: {  	_ =	strace s3  }
0x15: {  	_ =	strace $0x8FFFFFFF  }
0x16: {  	s19 =	sld [smem:$0x3FDB];
	_ =	sdelay $0x1  }
0x17: {  	s20 =	simm.s32 $_scs_section_size  }
0x18: {  	s5 =	simm.s32 $_size__tile_overlayer_lowered;
	s6 =	simm.s32 $_tile_overlayer_lowered  }
0x19: {  	s23 =	simm.s32 $0x1BFF;
	s22 =	sshll.u32 s6, $0x1;
	s3 =	sadd.s32 s20, s19  }
0x1a: {  	s7 =	simm.s32 $0x0;
	s21 =	sshll.u32 s5, $0x1;
	s5 =	sadd.s32 s22, s3  }
0x1b: {  	[timem:s7], [sflag:s23] =	dma.local [hbm:s5], s21  }
0x1c: {  	_ =	swait.ge [sflag:s23], s21  }
0x1d: {  	s4 =	ssub.s32 $0x0, s21;
	[sflag:s23] =	ssyncset.done $0x0  }
0x1e: {  	[sflag:s23] =	ssyncadd.s32 s4;
	_ =	sdelay $0x1  }
0x1f: {  	s24 =	simm.s32 $0x1B8B  }
0x20: {  	_ =	swait.ge [sflag:s24], $0x1  }
0x21: {  	[sflag:s24] =	ssyncset.done $0x0  }
0x22: {  	s26 =	simm.s32 $0x1B8E;
	s25 =	sld [smem:$0x3FFE];
	[sflag:s24] =	ssyncadd.s32 $0xFFFFFFFF  }
0x23: {  	s27 =	simm.s32 $execute0_lowered;
	[smem:$0x3FD2] =	sst s26  }
0x24: {  	s5 =	sshll.u32 s27, $0x1;
	_ =	strace $0x80000049;
	[dreg:$0x1] =	wrdreg $0xFFFFFFFF  }
0x25: {  	s28 =	simm.s32 $_size_execute0_lowered;
	s3 =	sadd.s32 s3, s5;
	[dreg:$0x0] =	wrdreg $0x0  }
0x26: {  	s5 =	sshll.u32 s28, $0x1;
	[dreg:$0x2] =	wrdreg s3  }
0x27: {  	[dreg:$0x3] =	wrdreg s5  }
0x28: {  	[dreg:$0x4] =	wrdreg $0xC0  }
0x29: {  	_ =	task [dreg:s7], $0x5FFFF  }
0x2a: {  	[dreg:$0x1] =	wrdreg $0xFFFFFFFF  }
0x2b: {  	[dreg:$0x0] =	wrdreg $0x60  }
0x2c: {  	[dreg:$0x2] =	wrdreg s17  }
0x2d: {  	[dreg:$0x3] =	wrdreg s25  }
0x2e: {  	[dreg:$0x4] =	wrdreg $0x9  }
0x2f: {  	_ =	task.clear_ibuf [dreg:s7], $0x5FFFF;
	_ =	strace $0x90000049  }
0x30: {  	s29 =	simm.s32 $0x9;
	_ =	strace $0x8000004B  }
0x31: {  	_ =	swait.ge [sflag:s29], $0x1  }
0x32: {  	[sflag:s29] =	ssyncadd.s32 $0xFFFFFFFF  }
0x33: {  	_ =	strace $0x9000004B  }
0x34: {  	_ =	sfence  }
0x35: {  	s30 =	sld [smem:$0x0];
	_ =	sdelay $0x2  }
0x36: {  	s31 =	sshll.u32 s1, $0xD;
	s1 =	sshrl.u32 s1, $0x2  }
0x37: {  	s3 =	sand.u32 $0x4000, s31;
	s1 =	sadd.s32 s1, s30  }
0x38: {  	s0 =	sor.u32 s3, s0;
	s1 =	sshll.u32 s1, $0x11  }
0x39: {  	s0 =	sor.u32 s1, s0  }
0x3a: {  	s0 =	sadd.s32 $0x8F2B, s0  }
0x3b: {  	[sflag:s0] =	ssyncadd.remote.s32 $0x1  }
0x3c: {  	_ =	sfence.sel $0xFFFF  }
0x3d: {  	[dreg:$0x0] =	wrdreg $0xFFFFFFFF;
	(pc) =	sbr.abs _section_cstart, $3  }
0x3e: {  	[dreg:$0x1] =	wrdreg $0xFFFFFFFF  }
0x3f: {  	_ =	task.clear_ibuf [dreg:s7], $0x2FFFF;
	_ =	strace $0x9FFFFFFF  }
0x40: {  	(tm) =	ssettm $0x7FFFFFFF  }
0x41: {  	_ =	shalt  }
tec
execute0_lowered:
.L_overlay_start_1:
0x0: {  	(tag) =	ssettag $0x1  }
0x1: {  	s3 =	stileid.u32;
	s28 =	rddreg [dreg:$0x0]  }
0x2: {  	s0 =	srdreg.scid;
	s2 =	rddreg [dreg:$0x1]  }
0x3: {  	_ =	strace $0x8000004A;
	s30 =	simm.s32 $0x2;
	s22 =	simm.s32 $0x0  }
0x4: {  	s16 =	simm.s32 $0x400;
	s24 =	simm.s32 $0x0;
	s23 =	simm.s32 $0x0  }
0x5: {  	s25 =	simm.s32 $0x0;
	s17 =	simm.s32 $0x0;
	s19 =	simm.s32 $0x0  }
0x6: {  	s21 =	simm.s32 $0x0;
	s0 =	sshll.u32 s0, $0x4;
	s1 =	sshll.u32 s3, $0x1  }
0x7: {  	s31 =	sadd.s32 $0x1600, s2;
	s8 =	sadd.s32 $0x9600, s2;
	s9 =	sadd.s32 $0x11600, s2  }
0x8: {  	s10 =	sadd.s32 $0x19600, s2;
	s11 =	sadd.s32 $0x21600, s2;
	s12 =	sadd.s32 $0x29600, s2  }
0x9: {  	s13 =	sadd.s32 $0x31600, s2;
	s0 =	sor.u32 s3, s0;
	s3 =	sand.u32 $0xE, s1  }
0xa: {  	s14 =	sadd.s32 $0x39600, s2;
	s4 =	sand.u32 $0x18, s0;
	s26 =	ssub.s32 $0x10, s3  }
0xb: {  	s1 =	simm.s32 $0x1;
	s27 =	sand.u32 $0xE, s26;
	s5 =	ssub.s32 $0x100, s4  }
0xc: {  	s0 =	sshrl.u32 s26, $0x4;
	p0 =	sne.s32 s27, $0x0;
	s6 =	sand.u32 $0x18, s5  }
0xd: {  	s1 =	simm.s32 @!p0 $0x0;
	p0 =	sne.s32 s6, $0x0;
	s6 =	simm.s32 $0x1  }
.Ltmp0:
0xe: {  	s7 =	sshrl.u32 s5, $0x5;
	s6 =	simm.s32 @!p0 $0x0;
	(pc) =	sbr.rel .LBB1_1-.Ltmp0, $4  }
0xf: {  	s5 =	simm.s32 $0x1;
	s0 =	sadd.s32 s1, s0;
	s29 =	sadd.s32 s6, s7  }
0x10: {  	[dreg:$0x3] =	wrdreg s31;
	[sflag:s5] =	ssyncpa.u1 $0x0;
	s0 =	smul.u32 s29, s0  }
0x11: {  	s20 =	smov.u32 s3;
	s18 =	smov.u32 s4;
	[sflag:s30] =	ssyncpa.u1 $0x0  }
0x12: {  	p0 =	por $0x0, $0x0;
	s7 =	sshll.u32 s0, $0x1;
	s15 =	sshllo.u32 s0, $0x1  }
.LBB1_7:
0x13: {  	s0 =	sadd.s32 $0x80, s17  }
0x14: {  	s1 =	sadd.s32 $0x20, s18;
	s2 =	smov.u32 s18;
	p2 =	sgt.s32 s0, $0xFF  }
0x15: {  	s2 =	smov.u32 @p2 s1  }
0x16: {  	s26 =	smov.u32 s19;
	s1 =	sadd.s32 $0x10, s19;
	p3 =	sgt.s32 s2, $0xFF  }
0x17: {  	s26 =	smov.u32 @p3 s1  }
0x18: {  	s27 =	smov.u32 s20;
	s1 =	sadd.s32 $0x10, s20;
	p4 =	sgt.s32 s26, $0xF  }
0x19: {  	p1 =	slt.u32 s21, $0x2;
	s27 =	smov.u32 @p4 s1  }
0x1a: {  	s22 =	smov.u32 s17;
	s0 =	simm.s32 @p2 $0x0;
	p2 =	sgt.s32 s27, $0xF  }
0x1b: {  	s24 =	smov.u32 s18;
	s27 =	smov.u32 @p2 s3;
	p2 =	sne.s32 s21, s15  }
.Ltmp1:
0x1c: {  	s23 =	smov.u32 s19;
	s25 =	smov.u32 s20;
	(pc) =	sbr.rel @!p2 .LBB1_8-.Ltmp1, $4  }
0x1d: {  	p0 =	por !p0, !p0;
	s17 =	smov.u32 s0;
	s1 =	simm.s32 @!p1 $0x2  }
0x1e: {  	s2 =	smov.u32 @p3 s4;
	s26 =	simm.s32 @p4 $0x0;
	_ =	swait.ge @!p1 [sflag:s1], $0x4000  }
0x1f: {  	s18 =	smov.u32 s2;
	s19 =	smov.u32 s26;
	[sflag:s1] =	ssyncset.done @!p1 $0x0  }
0x20: {  	s21 =	sadd.s32 $0x1, s21;
	[sflag:s1] =	ssyncadd.s32 @!p1 $0xFFFFC000;
	s20 =	smov.u32 s27  }
.LBB1_1:
0x21: {  	p1 =	sge.u32 s21, s7  }
0x22: {  	s0 =	sshll.u32 @!p1 s18, $0x8;
	s1 =	sshll.u32 @!p1 s17, $0x4  }
0x23: {  	s2 =	sshll.u32 @!p1 s18, $0x7;
	s0 =	sand.u32 @!p1 $0xF000, s0;
	s1 =	sand.u32 @!p1 $0xF800, s1  }
0x24: {  	s31 =	sadd.s32 $0xFFFFFFFF, s21;
	s0 =	sadd.s32 @!p1 s0, s1;
	s1 =	sand.u32 @!p1 $0x700, s2  }
0x25: {  	s27 =	sshrl.u32 @!p1 s17, $0x3;
	s0 =	sor.u32 @!p1 s1, s0;
	s1 =	sshll.u32 @!p1 s20, $0x10  }
0x26: {  	s26 =	sshll.u32 @!p1 s19, $0xC;
	s27 =	sand.u32 @!p1 $0xF, s27;
	s1 =	sadd.s32 @!p1 s28, s1  }
0x27: {  	s2 =	sxor.u32 @!p1 $0xFFFFFFFF, s21;
	s0 =	sshrl.u32 @!p1 s0, $0x4;
	s1 =	sadd.s32 @!p1 s26, s1  }
0x28: {  	s0 =	sand.u32 @!p1 $0xFF0, s0;
	s26 =	sand.u32 @!p1 $0x7, s17;
	s1 =	sadd.s32 @!p1 s27, s1  }
0x29: {  	s0 =	sadd.s32 @!p1 s0, s1;
	s1 =	sshll.u32 @!p1 s2, $0xE;
	s2 =	sshll.u32 @!p1 s26, $0x12  }
0x2a: {  	s26 =	simm.s32 @!p1 $0x8000;
	s1 =	sand.u32 @!p1 $0x4000, s1;
	s2 =	sor.u32 @!p1 $0x200, s2  }
0x2b: {  	[tilespmem:s1], [sflag:$0x1] =	stream.strided.gather @!p1 [hbm4b:s0+s2], $0x4000, s26, s2, $0x38;
	[tilespmem:$0x10800] =	vst v63  }
0x2c: {  	p1 =	sge.u32 s31, s7  }
.Ltmp2:
0x2d: {  	_ = 	snop;
	(pc) =	sbr.rel @p1 .LBB1_7-.Ltmp2, $1  }
0x2e: {  	_ =	sdelay $0x3  }
0x2f: {  	s0 =	simm.s32 $0x1;
	s2 =	sand.u32 $0x1, s21  }
0x30: {  	s0 =	simm.s32 @!p0 $0x0;
	s2 =	smul.u32 $0x11000, s2  }
0x31: {  	s6 =	smov.u32 s28;
	_ =	swait.ge [sflag:s5], $0x4000;
	s1 =	smul.u32 $0x11000, s0  }
0x32: {  	s30 =	simm.s32 $0x0;
	[sflag:s5] =	ssyncset.done $0x0;
	s0 =	sshll.u32 s0, $0xE  }
0x33: {  	[sflag:s5] =	ssyncadd.s32 $0xFFFFC000;
	s26 =	sshrl.u32 s2, $0x2;
	s1 =	sshrl.u32 s1, $0x2  }
0x34: {  	s29 =	sor.u32 $0x2000, s0;
	s27 =	sor.u32 $0x8000, s26;
	s1 =	sor.u32 $0x8000, s1  }
.LBB1_3:
0x35: {  	v0 =	vld [tilespmem:s29+$0xFFFFE070]  }
0x36: {  	v1 =	vld [tilespmem:s29+$0x70]  }
0x37: {  	v2 =	vld [tilespmem:s29+$0x0]  }
0x38: {  	v3 =	vld [tilespmem:s29+$0xFFFFE010]  }
0x39: {  	v5 =	vld [tilespmem:s29+$0xFFFFE020]  }
0x3a: {  	v4 =	vld [tilespmem:s29+$0x10]  }
0x3b: {  	v6 =	vld [tilespmem:s29+$0x20]  }
0x3c: {  	v9 =	vld [tilespmem:s29+$0xFFFFE030];
	v7 =	vunpack.i.l.s16.s32 v0;
	v8 =	vunpack.i.l.s16.s32 v1  }
0x3d: {  	v10 =	vunpack.i.u.s16.s32 v0;
	v11 =	vunpack.i.u.s16.s32 v1;
	v0 =	vunpack.i.u.s16.s32 v2  }
0x3e: {  	v1 =	vunpack.i.l.s16.s32 v2;
	v2 =	vld [tilespmem:s29+$0x30];
	v13 =	vunpack.i.u.s16.s32 v5;
	v14 =	vunpack.i.l.s16.s32 v5  }
0x3f: {  	v12 =	vld [tilespmem:s29+$0xFFFFE040];
	v7 =	vpack.i.b32.b16 v8, v7;
	v8 =	vpack.i.b32.b16 v11, v10;
	v10 =	vunpack.i.u.s16.s32 v3  }
0x40: {  	v15 =	vld [tilespmem:s29+$0x40];
	v3 =	vunpack.i.l.s16.s32 v3;
	v11 =	vunpack.i.u.s16.s32 v4;
	v4 =	vunpack.i.l.s16.s32 v4;
	[tilespmem:s1+$0x770 ss:$0x11] =	vst.msk $0xffff, v7  }
0x41: {  	v4 =	vpack.i.b32.b16 v4, v3;
	v3 =	vld [tilespmem:s29+$0xFFFFE050];
	v7 =	vunpack.i.u.s16.s32 v9;
	[tilespmem:s1+$0xFF0 ss:$0x11] =	vst.msk $0xffff, v8;
	v8 =	vunpack.i.u.s16.s32 v6  }
0x42: {  	v5 =	vld [tilespmem:s29+$0x50];
	v6 =	vunpack.i.l.s16.s32 v6;
	[tilespmem:s1+$0x110 ss:$0x11] =	vst.msk $0xffff, v4;
	v4 =	vpack.i.b32.b16 v11, v10;
	v11 =	vunpack.i.l.s16.s32 v9  }
0x43: {  	[tilespmem:s1+$0x990 ss:$0x11] =	vst.msk $0xffff, v4;
	v4 =	vpack.i.b32.b16 v6, v14;
	v9 =	vunpack.i.u.s16.s32 v2;
	v14 =	vunpack.i.l.s16.s32 v2;
	v2 =	vld [tilespmem:s29+$0xFFFFE060]  }
0x44: {  	s0 =	simm.s32 $0x0;
	v10 =	vunpack.i.l.s16.s32 v12;
	v13 =	vpack.i.b32.b16 v8, v13;
	v8 =	vunpack.i.u.s16.s32 v12;
	[tilespmem:s1+$0x220 ss:$0x11] =	vst.msk $0xffff, v4;
	v4 =	vld [tilespmem:s29+$0x60]  }
0x45: {  	s2 =	sadd.s32 $0x80, s29;
	s28 =	smov.u32 s1;
	s31 =	smov.u32 s1;
	v6 =	vld [tilespmem:s29+$0xFFFFE000];
	v12 =	vunpack.i.l.s16.s32 v15;
	[tilespmem:s1+$0xAA0 ss:$0x11] =	vst.msk $0xffff, v13;
	v13 =	vpack.i.b32.b16 v14, v11;
	v11 =	vunpack.i.u.s16.s32 v15  }
.LBB1_4:
0x46: {  	v14 =	vld [tilespmem:s2+$0xFFFFE070];
	[tilespmem:s28+$0x330 ss:$0x11] =	vst.msk $0xffff, v13;
	v7 =	vpack.i.b32.b16 v9, v7;
	v9 =	vunpack.i.u.s16.s32 v3;
	v3 =	vunpack.i.l.s16.s32 v3  }
0x47: {  	v13 =	vld [tilespmem:s2+$0x70];
	[tilespmem:s28+$0xBB0 ss:$0x11] =	vst.msk $0xffff, v7;
	v7 =	vpack.i.b32.b16 v12, v10;
	v10 =	vunpack.i.u.s16.s32 v5;
	v5 =	vunpack.i.l.s16.s32 v5  }
0x48: {  	s0 =	sadd.s32 $0x2, s0;
	v12 =	vld [tilespmem:s2+$0x0];
	[tilespmem:s28+$0x440 ss:$0x11] =	vst.msk $0xffff, v7;
	v7 =	vpack.i.b32.b16 v11, v8;
	v8 =	vunpack.i.u.s16.s32 v2;
	v2 =	vunpack.i.l.s16.s32 v2  }
0x49: {  	p1 =	slt.u32 s0, $0x6;
	v3 =	vpack.i.b32.b16 v5, v3;
	v11 =	vld [tilespmem:s2+$0xFFFFE010];
	[tilespmem:s28+$0xCC0 ss:$0x11] =	vst.msk $0xffff, v7;
	v5 =	vunpack.i.u.s16.s32 v4;
	v4 =	vunpack.i.l.s16.s32 v4  }
0x4a: {  	v7 =	vld [tilespmem:s2+$0x10];
	v15 =	vunpack.i.u.s16.s32 v6;
	v6 =	vunpack.i.l.s16.s32 v6;
	[tilespmem:s28+$0x550 ss:$0x11] =	vst.msk $0xffff, v3;
	v3 =	vpack.i.b32.b16 v10, v9  }
0x4b: {  	v2 =	vpack.i.b32.b16 v4, v2;
	v9 =	vld [tilespmem:s2+$0xFFFFE020];
	v1 =	vpack.i.b32.b16 v1, v6;
	v0 =	vpack.i.b32.b16 v0, v15;
	[tilespmem:s28+$0xDD0 ss:$0x11] =	vst.msk $0xffff, v3  }
0x4c: {  	v5 =	vpack.i.b32.b16 v5, v8;
	v4 =	vunpack.i.l.s16.s32 v14;
	v3 =	vld [tilespmem:s2+$0x20];
	v6 =	vunpack.i.l.s16.s32 v13;
	[tilespmem:s28+$0x0 ss:$0x11] =	vst.msk $0xffff, v1  }
0x4d: {  	v10 =	vunpack.i.u.s16.s32 v14;
	v13 =	vunpack.i.u.s16.s32 v13;
	s28 =	sadd.s32 $0x1100, s28;
	v8 =	vld [tilespmem:s2+$0xFFFFE030];
	v4 =	vpack.i.b32.b16 v6, v4;
	[tilespmem:s31+$0x880 ss:$0x11] =	vst.msk $0xffff, v0  }
0x4e: {  	v0 =	vunpack.i.u.s16.s32 v12;
	v1 =	vunpack.i.l.s16.s32 v12;
	v6 =	vld [tilespmem:s2+$0x30];
	[tilespmem:s28+$0x770 ss:$0x11] =	vst.msk $0xffff, v4;
	v4 =	vpack.i.b32.b16 v13, v10  }
0x4f: {  	v10 =	vunpack.i.u.s16.s32 v11;
	v11 =	vunpack.i.l.s16.s32 v11;
	v12 =	vunpack.i.u.s16.s32 v7;
	v13 =	vld [tilespmem:s2+$0xFFFFE040];
	[tilespmem:s28+$0xFF0 ss:$0x11] =	vst.msk $0xffff, v4  }
0x50: {  	v4 =	vunpack.i.l.s16.s32 v7;
	v14 =	vunpack.i.u.s16.s32 v9;
	v9 =	vunpack.i.l.s16.s32 v9;
	v15 =	vld [tilespmem:s2+$0x40];
	[tilespmem:s31+$0x660 ss:$0x11] =	vst.msk $0xffff, v2  }
.Ltmp3:
0x51: {  	v2 =	vpack.i.b32.b16 v4, v11;
	v4 =	vunpack.i.u.s16.s32 v3;
	v11 =	vunpack.i.l.s16.s32 v3;
	v3 =	vld [tilespmem:s2+$0xFFFFE050];
	[tilespmem:s31+$0xEE0 ss:$0x11] =	vst.msk $0xffff, v5;
	s31 =	smov.u32 s28;
	(pc) =	sbr.rel @p1 .LBB1_4-.Ltmp3, $4  }
0x52: {  	[tilespmem:s28+$0x110 ss:$0x11] =	vst.msk $0xffff, v2;
	v2 =	vpack.i.b32.b16 v12, v10;
	v7 =	vunpack.i.u.s16.s32 v8;
	v12 =	vunpack.i.l.s16.s32 v8;
	v5 =	vld [tilespmem:s2+$0x50]  }
0x53: {  	v8 =	vpack.i.b32.b16 v11, v9;
	[tilespmem:s28+$0x990 ss:$0x11] =	vst.msk $0xffff, v2;
	v9 =	vunpack.i.u.s16.s32 v6;
	v11 =	vunpack.i.l.s16.s32 v6;
	v2 =	vld [tilespmem:s2+$0xFFFFE060]  }
0x54: {  	v14 =	vpack.i.b32.b16 v4, v14;
	[tilespmem:s28+$0x220 ss:$0x11] =	vst.msk $0xffff, v8;
	v8 =	vunpack.i.u.s16.s32 v13;
	v10 =	vunpack.i.l.s16.s32 v13;
	v4 =	vld [tilespmem:s2+$0x60]  }
0x55: {  	v13 =	vpack.i.b32.b16 v11, v12;
	v6 =	vld [tilespmem:s2+$0xFFFFE000];
	[tilespmem:s28+$0xAA0 ss:$0x11] =	vst.msk $0xffff, v14;
	v11 =	vunpack.i.u.s16.s32 v15;
	v12 =	vunpack.i.l.s16.s32 v15;
	s2 =	sadd.s32 $0x80, s2  }
0x56: {  	[tilespmem:s28+$0x330 ss:$0x11] =	vst.msk $0xffff, v13;
	v7 =	vpack.i.b32.b16 v9, v7  }
0x57: {  	v50 =	vpack.i.b32.b16 v12, v10;
	[tilespmem:s28+$0xBB0 ss:$0x11] =	vst.msk $0xffff, v7  }
0x58: {  	v51 =	vunpack.i.l.s16.s32 v3;
	v53 =	vpack.i.b32.b16 v11, v8;
	v52 =	vunpack.i.l.s16.s32 v5;
	[tilespmem:s28+$0x440 ss:$0x11] =	vst.msk $0xffff, v50  }
0x59: {  	v54 =	vunpack.i.u.s16.s32 v3;
	s30 =	sadd.s32 $0x1, s30;
	v55 =	vunpack.i.u.s16.s32 v5;
	[tilespmem:s28+$0xCC0 ss:$0x11] =	vst.msk $0xffff, v53;
	v56 =	vpack.i.b32.b16 v52, v51  }
0x5a: {  	p1 =	sne.s32 s30, $0x10;
	v3 =	vpack.i.b32.b16 v55, v54;
	v59 =	vunpack.i.l.s16.s32 v2;
	[tilespmem:s28+$0x550 ss:$0x11] =	vst.msk $0xffff, v56;
	v60 =	vunpack.i.l.s16.s32 v4  }
.Ltmp4:
0x5b: {  	v57 =	vunpack.i.l.s16.s32 v6;
	[tilespmem:s28+$0xDD0 ss:$0x11] =	vst.msk $0xffff, v3;
	v3 =	vpack.i.b32.b16 v60, v59;
	(pc) =	sbr.rel @p1 .LBB1_3-.Ltmp4, $4  }
0x5c: {  	v61 =	vunpack.i.u.s16.s32 v2;
	v62 =	vunpack.i.u.s16.s32 v4;
	v1 =	vpack.i.b32.b16 v1, v57;
	[tilespmem:s31+$0x660 ss:$0x11] =	vst.msk $0xffff, v3  }
0x5d: {  	v58 =	vunpack.i.u.s16.s32 v6;
	v63 =	vpack.i.b32.b16 v62, v61;
	[tilespmem:s28+$0x0 ss:$0x11] =	vst.msk $0xffff, v1  }
0x5e: {  	v0 =	vpack.i.b32.b16 v0, v58;
	[tilespmem:s31+$0xEE0 ss:$0x11] =	vst.msk $0xffff, v63  }
0x5f: {  	s1 =	sadd.s32 $0x1, s1;
	s29 =	sadd.s32 $0x200, s29;
	[tilespmem:s31+$0x880 ss:$0x11] =	vst.msk $0xffff, v0  }
0x60: {  	s0 =	sshll.u32 s25, $0x7  }
0x61: {  	s1 =	sshll.u32 s23, $0x1;
	s2 =	sshll.u32 s24, $0xF;
	s22 =	sshll.u32 s22, $0x7  }
0x62: {  	s30 =	sshrl.u32 s23, $0x3;
	s31 =	rddreg [dreg:$0x3];
	s25 =	sand.u32 $0x7, s23  }
0x63: {  	s0 =	sand.u32 $0x700, s0;
	s1 =	sand.u32 $0x80, s1;
	s24 =	sadd.s32 s2, s22  }
0x64: {  	s0 =	sor.u32 s0, s1;
	s1 =	sand.u32 $0x7, s30;
	s24 =	sadd.s32 s31, s24  }
0x65: {  	s23 =	sshll.u32 s25, $0x12;
	s0 =	sshrl.u32 s0, $0x4;
	s24 =	sadd.s32 s1, s24  }
0x66: {  	s23 =	sor.u32 $0x10, s23;
	s24 =	sadd.s32 s0, s24  }
0x67: {  	[hbm4b:s24+s23] =	stream.strided.scatter [tilespmem:s27], [sflag:$0x2], $0x800, s16, s23, $0x8;
	[tilespmem:$0x10800] =	vst v63  }
0x68: {  	s27 =	sadd.s32 s2, s8  }
0x69: {  	s24 =	sadd.s32 s1, s27  }
0x6a: {  	s24 =	sadd.s32 s22, s24  }
0x6b: {  	s29 =	sadd.s32 $0x8880, s26;
	s30 =	sadd.s32 s2, s9;
	s24 =	sadd.s32 s0, s24  }
0x6c: {  	[hbm4b:s24+s23] =	stream.strided.scatter [tilespmem:s29], [sflag:$0x2], $0x800, s16, s23, $0x8;
	[tilespmem:$0x10800] =	vst v63  }
0x6d: {  	s24 =	sadd.s32 s1, s30  }
0x6e: {  	s24 =	sadd.s32 s22, s24  }
0x6f: {  	s31 =	sadd.s32 $0x9100, s26;
	s27 =	sadd.s32 s2, s10;
	s24 =	sadd.s32 s0, s24  }
0x70: {  	[hbm4b:s24+s23] =	stream.strided.scatter [tilespmem:s31], [sflag:$0x2], $0x800, s16, s23, $0x8;
	[tilespmem:$0x10800] =	vst v63  }
0x71: {  	s24 =	sadd.s32 s1, s27  }
0x72: {  	s24 =	sadd.s32 s22, s24  }
0x73: {  	s29 =	sadd.s32 $0x9980, s26;
	s30 =	sadd.s32 s2, s11;
	s24 =	sadd.s32 s0, s24  }
0x74: {  	[hbm4b:s24+s23] =	stream.strided.scatter [tilespmem:s29], [sflag:$0x2], $0x800, s16, s23, $0x8;
	[tilespmem:$0x10800] =	vst v63  }
0x75: {  	s24 =	sadd.s32 s1, s30  }
0x76: {  	s24 =	sadd.s32 s22, s24  }
0x77: {  	s25 =	sadd.s32 s2, s12;
	s31 =	sadd.s32 $0xA200, s26;
	s24 =	sadd.s32 s0, s24  }
0x78: {  	[hbm4b:s24+s23] =	stream.strided.scatter [tilespmem:s31], [sflag:$0x2], $0x800, s16, s23, $0x8;
	[tilespmem:$0x10800] =	vst v63  }
0x79: {  	s24 =	sadd.s32 s1, s25  }
0x7a: {  	s24 =	sadd.s32 s22, s24  }
0x7b: {  	s27 =	sadd.s32 $0xAA80, s26;
	s29 =	sadd.s32 s2, s13;
	s24 =	sadd.s32 s0, s24  }
0x7c: {  	[hbm4b:s24+s23] =	stream.strided.scatter [tilespmem:s27], [sflag:$0x2], $0x800, s16, s23, $0x8;
	[tilespmem:$0x10800] =	vst v63  }
0x7d: {  	s2 =	sadd.s32 s2, s14;
	s24 =	sadd.s32 s1, s29  }
.Ltmp5:
0x7e: {  	s1 =	sadd.s32 s1, s2;
	s24 =	sadd.s32 s22, s24;
	(pc) =	sbr.rel .LBB1_7-.Ltmp5, $4  }
0x7f: {  	s30 =	sadd.s32 $0xB300, s26;
	s1 =	sadd.s32 s22, s1;
	s24 =	sadd.s32 s0, s24  }
0x80: {  	[hbm4b:s24+s23] =	stream.strided.scatter [tilespmem:s30], [sflag:$0x2], $0x800, s16, s23, $0x8;
	[tilespmem:$0x10800] =	vst v63  }
0x81: {  	s28 =	smov.u32 s6;
	s31 =	sadd.s32 $0xBB80, s26;
	s0 =	sadd.s32 s0, s1  }
0x82: {  	[hbm4b:s0+s23] =	stream.strided.scatter [tilespmem:s31], [sflag:$0x2], $0x800, s16, s23, $0x8;
	[tilespmem:$0x10800] =	vst v63  }
.LBB1_8:
0x83: {  	_ =	sfence.sel $0x180000  }
0x84: {  	s0 =	simm.s32 $0x1;
	[bflag:$0x0] =	sbarrier.arrive $0xFFFF  }
0x85: {  	s30 =	simm.s32 $0x2;
	[sflag:s0] =	ssyncpa.u1 $0x1  }
0x86: {  	[sflag:s30] =	ssyncpa.u1 $0x1  }
0x87: {  	_ =	strace $0x9000004A  }
0x88: {  	s31 =	stileid.u32;
	[bflag:$0x2] =	sbarrier.arrive $0xFFFF  }
0x89: {  	p0 =	sne.s32 s31, $0x0;
	s0 =	rddreg [dreg:$0x2]  }
0x8a: {  	s0 =	sadd.s32 @!p0 $0x100000, s0  }
0x8b: {  	[sflag:s0] =	ssyncadd.tile.s32 @!p0 $0x1;
	_ =	shalt  }
.Lfunc_end1:
_tile_overlayer_lowered:
.L_overlay_start_2:
0x8c: {  	(tag) =	ssettag $0x2  }
0x8d: {  	s0 =	rddreg [dreg:$0x0];
	s2 =	stileid.u32  }
0x8e: {  	s1 =	rddreg [dreg:$0x1];
	p0 =	sne.s32 s2, $0x0  }
0x8f: {  	s3 =	rddreg [dreg:$0x2];
	[bflag:$0x3] =	sbarrier.arrive $0xFFFF;
	s2 =	simm.s32 @!p0 $0x1C01  }
0x90: {  	[timem:s3], [sflag:s2] =	dma.local @!p0 [hbm:s0], s1  }
0x91: {  	s0 =	simm.s32 @!p0 $0x1  }
0x92: {  	_ =	swait.ge @!p0 [sflag:s0], s1  }
0x93: {  	s1 =	ssub.s32 @!p0 $0x0, s1;
	[sflag:s0] =	ssyncset.done @!p0 $0x0  }
0x94: {  	[sflag:s0] =	ssyncadd.s32 @!p0 s1  }
0x95: {  	[bflag:$0x3] =	sbarrier.arrive $0xFFFF  }
0x96: {  	_ =	shalt  }

// kernel: sparse-core-data-format-call.4.cloned.1.call-start
scs
called_computation.6_lowered:
.L_overlay_start_0:
0x0: {  	s1 =	sld [smem:$0x3FD9]  }
0x1: {  	s2 =	sld [smem:$0x3FFE];
	_ =	sdelay $0x1  }
0x2: {  	s3 =	srdreg.scid  }
0x3: {  	s0 =	sand.u32 $0x1, s3  }
0x4: {  	s17 =	sshll.u32 s0, $0xA;
	s1 =	sadd.s32 s2, s1  }
0x5: {  	s1 =	sadd.s32 s1, s17  }
0x6: {  	[smem:$0x3FB4] =	sst s1  }
0x7: {  	_ = 	snop  }
0x8: {  	(tm) =	ssettm $0x1  }
0x9: {  	s18 =	sld [smem:$0x3FFB];
	_ =	sdelay $0x3  }
0xa: {  	_ =	strace s18  }
0xb: {  	s1 =	sld [smem:$0x3FFC];
	_ =	sdelay $0x3  }
0xc: {  	_ =	strace s1  }
0xd: {  	s1 =	sld [smem:$0x3FFD];
	_ =	sdelay $0x3  }
0xe: {  	_ =	strace s1  }
0xf: {  	_ =	strace $0x8FFFFFFF  }
0x10: {  	s19 =	sld [smem:$0x3FDB];
	_ =	sdelay $0x1  }
0x11: {  	s20 =	simm.s32 $_scs_section_size  }
0x12: {  	s4 =	simm.s32 $_size__tile_overlayer_lowered;
	s5 =	simm.s32 $_tile_overlayer_lowered  }
0x13: {  	s23 =	simm.s32 $0x1BFF;
	s22 =	sshll.u32 s5, $0x1;
	s1 =	sadd.s32 s20, s19  }
0x14: {  	s6 =	simm.s32 $0x0;
	s21 =	sshll.u32 s4, $0x1;
	s4 =	sadd.s32 s22, s1  }
0x15: {  	[timem:s6], [sflag:s23] =	dma.local [hbm:s4], s21  }
0x16: {  	_ =	swait.ge [sflag:s23], s21  }
0x17: {  	s2 =	ssub.s32 $0x0, s21;
	[sflag:s23] =	ssyncset.done $0x0  }
0x18: {  	[sflag:s23] =	ssyncadd.s32 s2;
	_ =	sdelay $0x1  }
0x19: {  	s24 =	simm.s32 $0x1B8B  }
0x1a: {  	_ =	swait.ge [sflag:s24], $0x1  }
0x1b: {  	[sflag:s24] =	ssyncset.done $0x0  }
0x1c: {  	s26 =	simm.s32 $0x1B8E;
	s25 =	sld [smem:$0x3FFE];
	[sflag:s24] =	ssyncadd.s32 $0xFFFFFFFF  }
0x1d: {  	s27 =	simm.s32 $execute0_lowered;
	[smem:$0x3FD2] =	sst s26  }
0x1e: {  	s4 =	sshll.u32 s27, $0x1;
	_ =	strace $0x80000046;
	[dreg:$0x1] =	wrdreg $0xFFFFFFFF  }
0x1f: {  	s28 =	simm.s32 $_size_execute0_lowered;
	s1 =	sadd.s32 s1, s4;
	[dreg:$0x0] =	wrdreg $0x0  }
0x20: {  	s4 =	sshll.u32 s28, $0x1;
	[dreg:$0x2] =	wrdreg s1  }
0x21: {  	[dreg:$0x3] =	wrdreg s4  }
0x22: {  	[dreg:$0x4] =	wrdreg $0xC0  }
0x23: {  	_ =	task [dreg:s6], $0x5FFFF  }
0x24: {  	[dreg:$0x1] =	wrdreg $0xFFFFFFFF  }
0x25: {  	[dreg:$0x0] =	wrdreg $0x60  }
0x26: {  	[dreg:$0x2] =	wrdreg s25  }
0x27: {  	[dreg:$0x3] =	wrdreg $0x9  }
0x28: {  	_ =	task.clear_ibuf [dreg:s6], $0x4FFFF;
	_ =	strace $0x90000046  }
0x29: {  	s29 =	simm.s32 $0x9;
	_ =	strace $0x80000048  }
0x2a: {  	_ =	swait.ge [sflag:s29], $0x1  }
0x2b: {  	[sflag:s29] =	ssyncadd.s32 $0xFFFFFFFF  }
0x2c: {  	_ =	strace $0x90000048  }
0x2d: {  	_ =	sfence  }
0x2e: {  	s30 =	sld [smem:$0x0];
	_ =	sdelay $0x2  }
0x2f: {  	s31 =	sshll.u32 s3, $0xD;
	s3 =	sshrl.u32 s3, $0x2  }
0x30: {  	s2 =	sand.u32 $0x4000, s31;
	s1 =	sadd.s32 s3, s30  }
0x31: {  	s0 =	sor.u32 s2, s0;
	s1 =	sshll.u32 s1, $0x11  }
0x32: {  	s0 =	sor.u32 s1, s0  }
0x33: {  	s0 =	sadd.s32 $0x8F2B, s0  }
0x34: {  	[sflag:s0] =	ssyncadd.remote.s32 $0x1  }
0x35: {  	_ =	sfence.sel $0xFFFF  }
0x36: {  	[dreg:$0x0] =	wrdreg $0xFFFFFFFF;
	(pc) =	sbr.abs _section_cstart, $3  }
0x37: {  	[dreg:$0x1] =	wrdreg $0xFFFFFFFF  }
0x38: {  	_ =	task.clear_ibuf [dreg:s6], $0x2FFFF;
	_ =	strace $0x9FFFFFFF  }
0x39: {  	(tm) =	ssettm $0x7FFFFFFF  }
tec
execute0_lowered:
.L_overlay_start_1:
0x0: {  	(tag) =	ssettag $0x1  }
0x1: {  	s0 =	srdreg.scid;
	s13 =	rddreg [dreg:$0x0]  }
0x2: {  	s1 =	stileid.u32;
	s5 =	simm.s32 $0x1;
	s6 =	simm.s32 $0x2  }
0x3: {  	s10 =	simm.s32 $0x1;
	s20 =	simm.s32 $0x0;
	s15 =	simm.s32 $0x10000  }
0x4: {  	s21 =	simm.s32 $0x0;
	s22 =	simm.s32 $0x0;
	s2 =	sshll.u32 s0, $0x4  }
0x5: {  	s16 =	simm.s32 $0x0;
	s17 =	simm.s32 $0x0;
	s3 =	sand.u32 $0x10, s2  }
0x6: {  	s19 =	simm.s32 $0x0;
	s0 =	rddreg [dreg:$0x1];
	s4 =	sor.u32 s1, s3  }
0x7: {  	_ =	strace $0x80000047;
	s8 =	sadd.s32 $0x831600, s13;
	s4 =	sshll.u32 s4, $0x3  }
0x8: {  	s12 =	sadd.s32 $0x861600, s13;
	s2 =	sadd.s32 $0x801600, s13;
	s7 =	ssub.s32 $0x100, s4  }
0x9: {  	[sflag:s5] =	ssyncpa.u1 $0x0;
	s3 =	sadd.s32 $0x1600, s13;
	s31 =	sand.u32 $0xF8, s7  }
.Ltmp0:
0xa: {  	[sflag:s6] =	ssyncpa.u1 $0x0;
	p0 =	sne.s32 s31, $0x0;
	(pc) =	sbr.rel .LBB1_1-.Ltmp0, $4  }
0xb: {  	s6 =	sadd.s32 $0x811600, s13;
	s9 =	sshrl.u32 s7, $0x8;
	s10 =	simm.s32 @!p0 $0x0  }
0xc: {  	s18 =	smov.u32 s4;
	s7 =	sadd.s32 $0x821600, s13;
	s11 =	sadd.s32 s10, s9  }
0xd: {  	p0 =	por $0x0, $0x0;
	s9 =	sadd.s32 $0x841600, s13;
	s11 =	sshll.u32 s11, $0x5  }
0xe: {  	s10 =	sadd.s32 $0x851600, s13;
	s13 =	sadd.s32 $0x871600, s13;
	s14 =	sor.u32 $0x1, s11  }
.LBB1_7:
0xf: {  	s23 =	sadd.s32 $0x1, s16  }
0x10: {  	s20 =	sadd.s32 $0x80, s17;
	s24 =	smov.u32 s17;
	p2 =	sgt.s32 s23, $0xF  }
0x11: {  	s24 =	smov.u32 @p2 s20  }
0x12: {  	s26 =	smov.u32 s18;
	s20 =	sadd.s32 $0x100, s18;
	p3 =	sgt.s32 s24, $0xFF  }
0x13: {  	s26 =	smov.u32 @p3 s20  }
0x14: {  	s23 =	simm.s32 @p2 $0x0;
	p2 =	sgt.s32 s26, $0xFF  }
0x15: {  	p1 =	slt.u32 s19, $0x2;
	s26 =	smov.u32 @p2 s4;
	p2 =	sne.s32 s19, s14  }
.Ltmp1:
0x16: {  	s25 =	simm.s32 @!p1 $0x2;
	(pc) =	sbr.rel @!p2 .LBB1_8-.Ltmp1, $4  }
0x17: {  	s21 =	smov.u32 s17;
	s22 =	smov.u32 s18;
	_ =	swait.ge @!p1 [sflag:s25], $0x4000  }
0x18: {  	p0 =	por !p0, !p0;
	[sflag:s25] =	ssyncset.done @!p1 $0x0;
	s24 =	simm.s32 @p3 $0x0  }
0x19: {  	s20 =	smov.u32 s16;
	[sflag:s25] =	ssyncadd.s32 @!p1 $0xFFFFC000;
	s16 =	smov.u32 s23  }
0x1a: {  	s17 =	smov.u32 s24;
	s19 =	sadd.s32 $0x1, s19;
	s18 =	smov.u32 s26  }
.LBB1_1:
0x1b: {  	p1 =	sge.u32 s19, s11  }
0x1c: {  	s23 =	sxor.u32 @!p1 $0xFFFFFFFF, s19;
	s24 =	sshll.u32 @!p1 s18, $0x10;
	s25 =	sshll.u32 @!p1 s17, $0x8  }
0x1d: {  	s27 =	sshll.u32 @!p1 s16, $0x4;
	s28 =	simm.s32 @!p1 $0x10;
	s26 =	sadd.s32 @!p1 s24, s25  }
0x1e: {  	s23 =	sshll.u32 @!p1 s23, $0xE;
	s27 =	sand.u32 @!p1 $0xF0, s27;
	s26 =	sadd.s32 @!p1 s2, s26  }
0x1f: {  	s29 =	simm.s32 @!p1 $0x800;
	s23 =	sand.u32 @!p1 $0x4000, s23;
	s26 =	sadd.s32 @!p1 s27, s26  }
0x20: {  	[tilespmem:s23], [sflag:$0x1] =	stream.strided.gather @!p1 [hbm4b:s26+s28], $0x800, s29, s28, $0x38;
	[tilespmem:$0x10100] =	vst v63  }
0x21: {  	s26 =	sadd.s32 @!p1 s24, s6  }
0x22: {  	s26 =	sadd.s32 @!p1 s25, s26  }
0x23: {  	s30 =	sor.u32 @!p1 $0x800, s23;
	s26 =	sadd.s32 @!p1 s27, s26  }
0x24: {  	[tilespmem:s30], [sflag:$0x1] =	stream.strided.gather @!p1 [hbm4b:s26+s28], $0x800, s29, s28, $0x38;
	[tilespmem:$0x10100] =	vst v63  }
0x25: {  	s26 =	sadd.s32 @!p1 s24, s7  }
0x26: {  	s26 =	sadd.s32 @!p1 s25, s26  }
0x27: {  	s30 =	sor.u32 @!p1 $0x1000, s23;
	s26 =	sadd.s32 @!p1 s27, s26  }
0x28: {  	[tilespmem:s30], [sflag:$0x1] =	stream.strided.gather @!p1 [hbm4b:s26+s28], $0x800, s29, s28, $0x38;
	[tilespmem:$0x10100] =	vst v63  }
0x29: {  	s26 =	sadd.s32 @!p1 s24, s8  }
0x2a: {  	s26 =	sadd.s32 @!p1 s25, s26  }
0x2b: {  	s30 =	sor.u32 @!p1 $0x1800, s23;
	s26 =	sadd.s32 @!p1 s27, s26  }
0x2c: {  	[tilespmem:s30], [sflag:$0x1] =	stream.strided.gather @!p1 [hbm4b:s26+s28], $0x800, s29, s28, $0x38;
	[tilespmem:$0x10100] =	vst v63  }
0x2d: {  	s26 =	sadd.s32 @!p1 s24, s9  }
0x2e: {  	s26 =	sadd.s32 @!p1 s25, s26  }
0x2f: {  	s30 =	sor.u32 @!p1 $0x2000, s23;
	s26 =	sadd.s32 @!p1 s27, s26  }
0x30: {  	[tilespmem:s30], [sflag:$0x1] =	stream.strided.gather @!p1 [hbm4b:s26+s28], $0x800, s29, s28, $0x38;
	[tilespmem:$0x10100] =	vst v63  }
0x31: {  	s26 =	sadd.s32 @!p1 s24, s10  }
0x32: {  	s26 =	sadd.s32 @!p1 s25, s26  }
0x33: {  	s30 =	sor.u32 @!p1 $0x2800, s23;
	s26 =	sadd.s32 @!p1 s27, s26  }
0x34: {  	[tilespmem:s30], [sflag:$0x1] =	stream.strided.gather @!p1 [hbm4b:s26+s28], $0x800, s29, s28, $0x38;
	[tilespmem:$0x10100] =	vst v63  }
0x35: {  	s26 =	sadd.s32 @!p1 s24, s12  }
0x36: {  	s24 =	sadd.s32 @!p1 s24, s13;
	s26 =	sadd.s32 @!p1 s25, s26  }
0x37: {  	s30 =	sor.u32 @!p1 $0x3000, s23;
	s24 =	sadd.s32 @!p1 s25, s24;
	s26 =	sadd.s32 @!p1 s27, s26  }
0x38: {  	[tilespmem:s30], [sflag:$0x1] =	stream.strided.gather @!p1 [hbm4b:s26+s28], $0x800, s29, s28, $0x38;
	[tilespmem:$0x10100] =	vst v63  }
0x39: {  	s31 =	sadd.s32 $0xFFFFFFFF, s19;
	s23 =	sor.u32 @!p1 $0x3800, s23;
	s24 =	sadd.s32 @!p1 s27, s24  }
0x3a: {  	[tilespmem:s23], [sflag:$0x1] =	stream.strided.gather @!p1 [hbm4b:s24+s28], $0x800, s29, s28, $0x38;
	[tilespmem:$0x10100] =	vst v63  }
0x3b: {  	p1 =	sge.u32 s31, s11  }
.Ltmp2:
0x3c: {  	_ = 	snop;
	(pc) =	sbr.rel @p1 .LBB1_7-.Ltmp2, $1  }
0x3d: {  	_ =	sdelay $0x3  }
0x3e: {  	s23 =	simm.s32 $0x1;
	s24 =	sand.u32 $0x1, s19  }
0x3f: {  	s23 =	simm.s32 @!p0 $0x0;
	s26 =	smul.u32 $0x10200, s24  }
0x40: {  	_ =	swait.ge [sflag:s5], $0x4000;
	s25 =	smul.u32 $0x10200, s23  }
0x41: {  	[sflag:s5] =	ssyncset.done $0x0;
	s24 =	sshll.u32 s23, $0xE  }
0x42: {  	[sflag:s5] =	ssyncadd.s32 $0xFFFFC000;
	s31 =	sshrl.u32 s26, $0x2;
	s30 =	sshrl.u32 s25, $0x2  }
0x43: {  	s26 =	simm.s32 $0x0;
	s23 =	sor.u32 $0x8000, s31;
	s25 =	sor.u32 $0x8000, s30  }
.LBB1_3:
0x44: {  	v0 =	vmov s24;
	_ =	sdelay $0x3  }
0x45: {  	s27 =	simm.s32 $0x0  }
0x46: {  	v1 =	vld.idx.msk [tilespmem:v0+s27+$0x0 ss:$0x1], $0xffff;
	_ =	sdelay $0x2  }
0x47: {  	s28 =	simm.s32 $0x40;
	s27 =	smov.u32 s25  }
.LBB1_4:
0x48: {  	s29 =	sshra.s32 s28, $0x2;
	p1 =	sne.s32 s28, $0x1FC0;
	s28 =	sadd.s32 $0x40, s28  }
.Ltmp3:
0x49: {  	[tilespmem:s27+$0x0 ss:$0x408] =	vst.msk $0xffff, v1;
	v1 =	vld.idx.msk [tilespmem:v0+s29+$0x0 ss:$0x1], $0xffff;
	(pc) =	sbr.rel @p1 .LBB1_4-.Ltmp3, $2  }
0x4a: {  	_ =	sdelay $0x2  }
0x4b: {  	s27 =	sadd.s32 $0x1, s27  }
0x4c: {  	s26 =	sadd.s32 $0x1, s26  }
0x4d: {  	p1 =	sne.s32 s26, $0x8  }
.Ltmp4:
0x4e: {  	_ = 	snop;
	(pc) =	sbr.rel @p1 .LBB1_3-.Ltmp4, $2  }
0x4f: {  	_ =	sdelay $0x2  }
0x50: {  	[tilespmem:s27+$0x0 ss:$0x408] =	vst.msk $0xffff, v1;
	s24 =	sadd.s32 $0x800, s24;
	s25 =	sadd.s32 $0x81, s25  }
0x51: {  	s24 =	sshll.u32 s22, $0x8;
	s25 =	sshll.u32 s21, $0x3  }
0x52: {  	s29 =	sshll.u32 s22, $0x7;
	s26 =	sand.u32 $0x78, s21;
	s20 =	sshll.u32 s20, $0x11  }
0x53: {  	s31 =	sand.u32 $0x7, s21;
	s24 =	sand.u32 $0xF800, s24;
	s25 =	sand.u32 $0xFC00, s25  }
0x54: {  	s30 =	sand.u32 $0x300, s29;
	s22 =	sand.u32 $0x80, s29;
	s24 =	sadd.s32 s24, s25  }
.Ltmp5:
0x55: {  	s22 =	sor.u32 s26, s22;
	s24 =	sor.u32 s30, s24;
	(pc) =	sbr.rel .LBB1_7-.Ltmp5, $4  }
0x56: {  	s20 =	sadd.s32 s3, s20;
	s22 =	sshrl.u32 s22, $0x3;
	s24 =	sshrl.u32 s24, $0x3  }
0x57: {  	s21 =	sshll.u32 s31, $0x12;
	s20 =	sadd.s32 s22, s20;
	s24 =	sand.u32 $0x1FE0, s24  }
0x58: {  	s21 =	sor.u32 $0x400, s21;
	s20 =	sadd.s32 s24, s20  }
0x59: {  	[hbm4b:s20+s21] =	stream.strided.scatter [tilespmem:s23], [sflag:$0x2], $0x4000, s15, s21, $0x20;
	[tilespmem:$0x10100] =	vst v63  }
.LBB1_8:
0x5a: {  	_ =	sfence.sel $0x180000  }
0x5b: {  	s2 =	simm.s32 $0x1;
	[bflag:$0x0] =	sbarrier.arrive $0xFFFF  }
0x5c: {  	s31 =	simm.s32 $0x2;
	[sflag:s2] =	ssyncpa.u1 $0x1  }
0x5d: {  	[sflag:s31] =	ssyncpa.u1 $0x1  }
0x5e: {  	p0 =	sne.s32 s1, $0x0;
	_ =	strace $0x90000047  }
0x5f: {  	s0 =	sadd.s32 @!p0 $0x100000, s0;
	[bflag:$0x2] =	sbarrier.arrive $0xFFFF  }
0x60: {  	[sflag:s0] =	ssyncadd.tile.s32 @!p0 $0x1;
	_ =	shalt  }
.Lfunc_end1:
_tile_overlayer_lowered:
.L_overlay_start_2:
0x61: {  	(tag) =	ssettag $0x2  }
0x62: {  	s0 =	rddreg [dreg:$0x0];
	s2 =	stileid.u32  }
0x63: {  	s1 =	rddreg [dreg:$0x1];
	p0 =	sne.s32 s2, $0x0  }
0x64: {  	s3 =	rddreg [dreg:$0x2];
	[bflag:$0x3] =	sbarrier.arrive $0xFFFF;
	s2 =	simm.s32 @!p0 $0x1C01  }
0x65: {  	[timem:s3], [sflag:s2] =	dma.local @!p0 [hbm:s0], s1  }
0x66: {  	s0 =	simm.s32 @!p0 $0x1  }
0x67: {  	_ =	swait.ge @!p0 [sflag:s0], s1  }
0x68: {  	s1 =	ssub.s32 @!p0 $0x0, s1;
	[sflag:s0] =	ssyncset.done @!p0 $0x0  }
0x69: {  	[sflag:s0] =	ssyncadd.s32 @!p0 s1  }
0x6a: {  	[bflag:$0x3] =	sbarrier.arrive $0xFFFF  }
0x6b: {  	_ =	shalt  }

// kernel: sparse-core-data-format-call.cloned.1.call-start
scs
called_computation.2_lowered:
.L_overlay_start_0:
0x0: {  	s2 =	sld [smem:$0x3FD9]  }
0x1: {  	s3 =	sld [smem:$0x3FFE];
	_ =	sdelay $0x1  }
0x2: {  	s1 =	srdreg.scid  }
0x3: {  	s0 =	sand.u32 $0x1, s1  }
0x4: {  	s15 =	sshll.u32 s0, $0xA;
	s2 =	sadd.s32 s3, s2  }
0x5: {  	s2 =	sadd.s32 s2, s15  }
0x6: {  	[smem:$0x3FB4] =	sst s2  }
0x7: {  	_ = 	snop  }
0x8: {  	s2 =	sld [smem:$0x3FD0];
	_ =	sdelay $0x2  }
0x9: {  	s16 =	simm.s32 $0xA;
	s4 =	simm.s32 $0x10  }
0xa: {  	[smem:s4], [sflag:s16] =	dma.local [hbm:s2], $0x1  }
0xb: {  	_ =	swait.eq [sflag:s16], $0x1  }
0xc: {  	[sflag:s16] =	ssyncset.done $0x0  }
0xd: {  	[sflag:s16] =	ssyncadd.s32 $0xFFFFFFFF  }
0xe: {  	s17 =	sld [smem:$0x10];
	(tm) =	ssettm $0x1  }
0xf: {  	s18 =	sld [smem:$0x3FFB];
	_ =	sdelay $0x3  }
0x10: {  	_ =	strace s18  }
0x11: {  	s3 =	sld [smem:$0x3FFC];
	_ =	sdelay $0x3  }
0x12: {  	_ =	strace s3  }
0x13: {  	s3 =	sld [smem:$0x3FFD];
	_ =	sdelay $0x3  }
0x14: {  	_ =	strace s3  }
0x15: {  	_ =	strace $0x8FFFFFFF  }
0x16: {  	s19 =	sld [smem:$0x3FDB];
	_ =	sdelay $0x1  }
0x17: {  	s20 =	simm.s32 $_scs_section_size  }
0x18: {  	s5 =	simm.s32 $_size__tile_overlayer_lowered;
	s6 =	simm.s32 $_tile_overlayer_lowered  }
0x19: {  	s23 =	simm.s32 $0x1BFF;
	s22 =	sshll.u32 s6, $0x1;
	s3 =	sadd.s32 s20, s19  }
0x1a: {  	s7 =	simm.s32 $0x0;
	s21 =	sshll.u32 s5, $0x1;
	s5 =	sadd.s32 s22, s3  }
0x1b: {  	[timem:s7], [sflag:s23] =	dma.local [hbm:s5], s21  }
0x1c: {  	_ =	swait.ge [sflag:s23], s21  }
0x1d: {  	s4 =	ssub.s32 $0x0, s21;
	[sflag:s23] =	ssyncset.done $0x0  }
0x1e: {  	[sflag:s23] =	ssyncadd.s32 s4;
	_ =	sdelay $0x1  }
0x1f: {  	s24 =	simm.s32 $0x1B8B  }
0x20: {  	_ =	swait.ge [sflag:s24], $0x1  }
0x21: {  	[sflag:s24] =	ssyncset.done $0x0  }
0x22: {  	s26 =	simm.s32 $0x1B8E;
	s25 =	sld [smem:$0x3FFE];
	[sflag:s24] =	ssyncadd.s32 $0xFFFFFFFF  }
0x23: {  	s27 =	simm.s32 $execute0_lowered;
	[smem:$0x3FD2] =	sst s26  }
0x24: {  	s5 =	sshll.u32 s27, $0x1;
	_ =	strace $0x80000058;
	[dreg:$0x1] =	wrdreg $0xFFFFFFFF  }
0x25: {  	s28 =	simm.s32 $_size_execute0_lowered;
	s3 =	sadd.s32 s3, s5;
	[dreg:$0x0] =	wrdreg $0x0  }
0x26: {  	s5 =	sshll.u32 s28, $0x1;
	[dreg:$0x2] =	wrdreg s3  }
0x27: {  	[dreg:$0x3] =	wrdreg s5  }
0x28: {  	[dreg:$0x4] =	wrdreg $0xC0  }
0x29: {  	_ =	task [dreg:s7], $0x5FFFF  }
0x2a: {  	[dreg:$0x1] =	wrdreg $0xFFFFFFFF  }
0x2b: {  	[dreg:$0x0] =	wrdreg $0x60  }
0x2c: {  	[dreg:$0x2] =	wrdreg s25  }
0x2d: {  	[dreg:$0x3] =	wrdreg s17  }
0x2e: {  	[dreg:$0x4] =	wrdreg $0x9  }
0x2f: {  	_ =	task.clear_ibuf [dreg:s7], $0x5FFFF;
	_ =	strace $0x90000058  }
0x30: {  	s29 =	simm.s32 $0x9;
	_ =	strace $0x8000005A  }
0x31: {  	_ =	swait.ge [sflag:s29], $0x1  }
0x32: {  	[sflag:s29] =	ssyncadd.s32 $0xFFFFFFFF  }
0x33: {  	_ =	strace $0x9000005A  }
0x34: {  	_ =	sfence  }
0x35: {  	s30 =	sld [smem:$0x0];
	_ =	sdelay $0x2  }
0x36: {  	s31 =	sshll.u32 s1, $0xD;
	s1 =	sshrl.u32 s1, $0x2  }
0x37: {  	s3 =	sand.u32 $0x4000, s31;
	s1 =	sadd.s32 s1, s30  }
0x38: {  	s0 =	sor.u32 s3, s0;
	s1 =	sshll.u32 s1, $0x11  }
0x39: {  	s0 =	sor.u32 s1, s0  }
0x3a: {  	s0 =	sadd.s32 $0x8F2B, s0  }
0x3b: {  	[sflag:s0] =	ssyncadd.remote.s32 $0x1  }
0x3c: {  	_ =	sfence.sel $0xFFFF  }
0x3d: {  	[dreg:$0x0] =	wrdreg $0xFFFFFFFF;
	(pc) =	sbr.abs _section_cstart, $3  }
0x3e: {  	[dreg:$0x1] =	wrdreg $0xFFFFFFFF  }
0x3f: {  	_ =	task.clear_ibuf [dreg:s7], $0x2FFFF;
	_ =	strace $0x9FFFFFFF  }
0x40: {  	(tm) =	ssettm $0x7FFFFFFF  }
0x41: {  	_ =	shalt  }
tec
execute0_lowered:
.L_overlay_start_1:
0x0: {  	(tag) =	ssettag $0x1  }
0x1: {  	s0 =	srdreg.scid;
	s13 =	rddreg [dreg:$0x0]  }
0x2: {  	s2 =	rddreg [dreg:$0x1];
	s7 =	simm.s32 $0x1;
	s8 =	simm.s32 $0x2  }
0x3: {  	s20 =	simm.s32 $0x0;
	s15 =	simm.s32 $0xC0000;
	s1 =	sshll.u32 s0, $0x4  }
0x4: {  	s21 =	simm.s32 $0x0;
	s0 =	stileid.u32;
	s1 =	sand.u32 $0x10, s1  }
0x5: {  	s22 =	simm.s32 $0x0;
	s16 =	simm.s32 $0x0;
	s1 =	sor.u32 s0, s1  }
0x6: {  	s17 =	simm.s32 $0x0;
	s19 =	simm.s32 $0x0;
	s3 =	sshll.u32 s1, $0x3  }
0x7: {  	s4 =	sadd.s32 $0x1800, s13;
	s9 =	sadd.s32 $0x19800, s13;
	s6 =	ssub.s32 $0x200, s3  }
0x8: {  	s10 =	sadd.s32 $0x21800, s13;
	s11 =	sadd.s32 $0x29800, s13;
	s5 =	sand.u32 $0xF8, s6  }
0x9: {  	s12 =	sadd.s32 $0x31800, s13;
	s1 =	rddreg [dreg:$0x2];
	p0 =	sne.s32 s5, $0x0  }
.Ltmp0:
0xa: {  	s6 =	sshrl.u32 s6, $0x8;
	s7 =	simm.s32 @!p0 $0x0;
	(pc) =	sbr.rel .LBB1_1-.Ltmp0, $4  }
0xb: {  	_ =	strace $0x80000059;
	s5 =	simm.s32 $0x1;
	s6 =	sadd.s32 s7, s6  }
0xc: {  	s18 =	smov.u32 s3;
	[sflag:s5] =	ssyncpa.u1 $0x0;
	s6 =	smul.u32 $0xC, s6  }
0xd: {  	p0 =	por $0x0, $0x0;
	[sflag:s8] =	ssyncpa.u1 $0x0;
	s7 =	sadd.s32 $0x9800, s13  }
0xe: {  	s8 =	sadd.s32 $0x11800, s13;
	s13 =	sadd.s32 $0x39800, s13;
	s14 =	sor.u32 $0x1, s6  }
.LBB1_7:
0xf: {  	s23 =	sadd.s32 $0x1, s16  }
0x10: {  	s20 =	sadd.s32 $0x80, s17;
	s24 =	smov.u32 s17;
	p2 =	sgt.s32 s23, $0x2  }
0x11: {  	s24 =	smov.u32 @p2 s20  }
0x12: {  	s26 =	smov.u32 s18;
	s20 =	sadd.s32 $0x100, s18;
	p3 =	sgt.s32 s24, $0x1FF  }
0x13: {  	s26 =	smov.u32 @p3 s20  }
0x14: {  	s23 =	simm.s32 @p2 $0x0;
	p2 =	sgt.s32 s26, $0x1FF  }
0x15: {  	p1 =	slt.u32 s19, $0x2;
	s26 =	smov.u32 @p2 s3;
	p2 =	sne.s32 s19, s14  }
.Ltmp1:
0x16: {  	s25 =	simm.s32 @!p1 $0x2;
	(pc) =	sbr.rel @!p2 .LBB1_8-.Ltmp1, $4  }
0x17: {  	s21 =	smov.u32 s17;
	s22 =	smov.u32 s18;
	_ =	swait.ge @!p1 [sflag:s25], $0x4000  }
0x18: {  	p0 =	por !p0, !p0;
	[sflag:s25] =	ssyncset.done @!p1 $0x0;
	s24 =	simm.s32 @p3 $0x0  }
0x19: {  	s20 =	smov.u32 s16;
	[sflag:s25] =	ssyncadd.s32 @!p1 $0xFFFFC000;
	s16 =	smov.u32 s23  }
0x1a: {  	s17 =	smov.u32 s24;
	s19 =	sadd.s32 $0x1, s19;
	s18 =	smov.u32 s26  }
.LBB1_1:
0x1b: {  	p1 =	sge.u32 s19, s6  }
0x1c: {  	s23 =	sxor.u32 @!p1 $0xFFFFFFFF, s19;
	s24 =	sshll.u32 @!p1 s18, $0xF;
	s25 =	sshll.u32 @!p1 s17, $0x6  }
0x1d: {  	s27 =	sshll.u32 @!p1 s16, $0x4;
	s28 =	simm.s32 @!p1 $0x10;
	s26 =	sadd.s32 @!p1 s24, s25  }
0x1e: {  	s23 =	sshll.u32 @!p1 s23, $0xE;
	s27 =	sand.u32 @!p1 $0x30, s27;
	s26 =	sadd.s32 @!p1 s4, s26  }
0x1f: {  	s29 =	simm.s32 @!p1 $0x200;
	s23 =	sand.u32 @!p1 $0x4000, s23;
	s26 =	sadd.s32 @!p1 s27, s26  }
0x20: {  	[tilespmem:s23], [sflag:$0x1] =	stream.strided.gather @!p1 [hbm4b:s26+s28], $0x800, s29, s28, $0x38;
	[tilespmem:$0x10100] =	vst v63  }
0x21: {  	s26 =	sadd.s32 @!p1 s24, s7  }
0x22: {  	s26 =	sadd.s32 @!p1 s25, s26  }
0x23: {  	s30 =	sor.u32 @!p1 $0x800, s23;
	s26 =	sadd.s32 @!p1 s27, s26  }
0x24: {  	[tilespmem:s30], [sflag:$0x1] =	stream.strided.gather @!p1 [hbm4b:s26+s28], $0x800, s29, s28, $0x38;
	[tilespmem:$0x10100] =	vst v63  }
0x25: {  	s26 =	sadd.s32 @!p1 s24, s8  }
0x26: {  	s26 =	sadd.s32 @!p1 s25, s26  }
0x27: {  	s30 =	sor.u32 @!p1 $0x1000, s23;
	s26 =	sadd.s32 @!p1 s27, s26  }
0x28: {  	[tilespmem:s30], [sflag:$0x1] =	stream.strided.gather @!p1 [hbm4b:s26+s28], $0x800, s29, s28, $0x38;
	[tilespmem:$0x10100] =	vst v63  }
0x29: {  	s26 =	sadd.s32 @!p1 s24, s9  }
0x2a: {  	s26 =	sadd.s32 @!p1 s25, s26  }
0x2b: {  	s30 =	sor.u32 @!p1 $0x1800, s23;
	s26 =	sadd.s32 @!p1 s27, s26  }
0x2c: {  	[tilespmem:s30], [sflag:$0x1] =	stream.strided.gather @!p1 [hbm4b:s26+s28], $0x800, s29, s28, $0x38;
	[tilespmem:$0x10100] =	vst v63  }
0x2d: {  	s26 =	sadd.s32 @!p1 s24, s10  }
0x2e: {  	s26 =	sadd.s32 @!p1 s25, s26  }
0x2f: {  	s30 =	sor.u32 @!p1 $0x2000, s23;
	s26 =	sadd.s32 @!p1 s27, s26  }
0x30: {  	[tilespmem:s30], [sflag:$0x1] =	stream.strided.gather @!p1 [hbm4b:s26+s28], $0x800, s29, s28, $0x38;
	[tilespmem:$0x10100] =	vst v63  }
0x31: {  	s26 =	sadd.s32 @!p1 s24, s11  }
0x32: {  	s26 =	sadd.s32 @!p1 s25, s26  }
0x33: {  	s30 =	sor.u32 @!p1 $0x2800, s23;
	s26 =	sadd.s32 @!p1 s27, s26  }
0x34: {  	[tilespmem:s30], [sflag:$0x1] =	stream.strided.gather @!p1 [hbm4b:s26+s28], $0x800, s29, s28, $0x38;
	[tilespmem:$0x10100] =	vst v63  }
0x35: {  	s26 =	sadd.s32 @!p1 s24, s12  }
0x36: {  	s24 =	sadd.s32 @!p1 s24, s13;
	s26 =	sadd.s32 @!p1 s25, s26  }
0x37: {  	s30 =	sor.u32 @!p1 $0x3000, s23;
	s24 =	sadd.s32 @!p1 s25, s24;
	s26 =	sadd.s32 @!p1 s27, s26  }
0x38: {  	[tilespmem:s30], [sflag:$0x1] =	stream.strided.gather @!p1 [hbm4b:s26+s28], $0x800, s29, s28, $0x38;
	[tilespmem:$0x10100] =	vst v63  }
0x39: {  	s31 =	sadd.s32 $0xFFFFFFFF, s19;
	s23 =	sor.u32 @!p1 $0x3800, s23;
	s24 =	sadd.s32 @!p1 s27, s24  }
0x3a: {  	[tilespmem:s23], [sflag:$0x1] =	stream.strided.gather @!p1 [hbm4b:s24+s28], $0x800, s29, s28, $0x38;
	[tilespmem:$0x10100] =	vst v63  }
0x3b: {  	p1 =	sge.u32 s31, s6  }
.Ltmp2:
0x3c: {  	_ = 	snop;
	(pc) =	sbr.rel @p1 .LBB1_7-.Ltmp2, $1  }
0x3d: {  	_ =	sdelay $0x3  }
0x3e: {  	s23 =	simm.s32 $0x1;
	s24 =	sand.u32 $0x1, s19  }
0x3f: {  	s23 =	simm.s32 @!p0 $0x0;
	s26 =	smul.u32 $0x10200, s24  }
0x40: {  	_ =	swait.ge [sflag:s5], $0x4000;
	s25 =	smul.u32 $0x10200, s23  }
0x41: {  	[sflag:s5] =	ssyncset.done $0x0;
	s24 =	sshll.u32 s23, $0xE  }
0x42: {  	[sflag:s5] =	ssyncadd.s32 $0xFFFFC000;
	s31 =	sshrl.u32 s26, $0x2;
	s30 =	sshrl.u32 s25, $0x2  }
0x43: {  	s26 =	simm.s32 $0x0;
	s23 =	sor.u32 $0x8000, s31;
	s25 =	sor.u32 $0x8000, s30  }
.LBB1_3:
0x44: {  	v0 =	vmov s24;
	_ =	sdelay $0x3  }
0x45: {  	s27 =	simm.s32 $0x0  }
0x46: {  	v1 =	vld.idx.msk [tilespmem:v0+s27+$0x0 ss:$0x1], $0xffff;
	_ =	sdelay $0x2  }
0x47: {  	s28 =	simm.s32 $0x40;
	s27 =	smov.u32 s25  }
.LBB1_4:
0x48: {  	s29 =	sshra.s32 s28, $0x2;
	p1 =	sne.s32 s28, $0x1FC0;
	s28 =	sadd.s32 $0x40, s28  }
.Ltmp3:
0x49: {  	[tilespmem:s27+$0x0 ss:$0x408] =	vst.msk $0xffff, v1;
	v1 =	vld.idx.msk [tilespmem:v0+s29+$0x0 ss:$0x1], $0xffff;
	(pc) =	sbr.rel @p1 .LBB1_4-.Ltmp3, $2  }
0x4a: {  	_ =	sdelay $0x2  }
0x4b: {  	s27 =	sadd.s32 $0x1, s27  }
0x4c: {  	s26 =	sadd.s32 $0x1, s26  }
0x4d: {  	p1 =	sne.s32 s26, $0x8  }
.Ltmp4:
0x4e: {  	_ = 	snop;
	(pc) =	sbr.rel @p1 .LBB1_3-.Ltmp4, $2  }
0x4f: {  	_ =	sdelay $0x2  }
0x50: {  	[tilespmem:s27+$0x0 ss:$0x408] =	vst.msk $0xffff, v1;
	s24 =	sadd.s32 $0x800, s24;
	s25 =	sadd.s32 $0x81, s25  }
0x51: {  	s24 =	sshll.u32 s22, $0x9;
	s25 =	sshll.u32 s21, $0x3  }
0x52: {  	s29 =	sshll.u32 s22, $0x7;
	s26 =	sand.u32 $0x78, s21;
	s20 =	sshll.u32 s20, $0xF  }
0x53: {  	s31 =	sand.u32 $0x7, s21;
	s24 =	sand.u32 $0x3F000, s24;
	s25 =	sand.u32 $0x3FC00, s25  }
0x54: {  	s30 =	sand.u32 $0x200, s29;
	s22 =	sand.u32 $0x180, s29;
	s24 =	sadd.s32 s24, s25  }
.Ltmp5:
0x55: {  	s22 =	sor.u32 s26, s22;
	s24 =	sor.u32 s30, s24;
	(pc) =	sbr.rel .LBB1_7-.Ltmp5, $4  }
0x56: {  	s20 =	sadd.s32 s2, s20;
	s22 =	sshrl.u32 s22, $0x3;
	s24 =	sshrl.u32 s24, $0x3  }
0x57: {  	s21 =	sshll.u32 s31, $0x12;
	s20 =	sadd.s32 s22, s20;
	s24 =	sand.u32 $0x7FC0, s24  }
0x58: {  	s21 =	sor.u32 $0x400, s21;
	s20 =	sadd.s32 s24, s20  }
0x59: {  	[hbm4b:s20+s21] =	stream.strided.scatter [tilespmem:s23], [sflag:$0x2], $0x4000, s15, s21, $0x20;
	[tilespmem:$0x10100] =	vst v63  }
.LBB1_8:
0x5a: {  	_ =	sfence.sel $0x180000  }
0x5b: {  	s2 =	simm.s32 $0x1;
	[bflag:$0x0] =	sbarrier.arrive $0xFFFF  }
0x5c: {  	s31 =	simm.s32 $0x2;
	[sflag:s2] =	ssyncpa.u1 $0x1  }
0x5d: {  	[sflag:s31] =	ssyncpa.u1 $0x1  }
0x5e: {  	p0 =	sne.s32 s0, $0x0;
	_ =	strace $0x90000059  }
0x5f: {  	s0 =	sadd.s32 @!p0 $0x100000, s1;
	[bflag:$0x2] =	sbarrier.arrive $0xFFFF  }
0x60: {  	[sflag:s0] =	ssyncadd.tile.s32 @!p0 $0x1;
	_ =	shalt  }
.Lfunc_end1:
_tile_overlayer_lowered:
.L_overlay_start_2:
0x61: {  	(tag) =	ssettag $0x2  }
0x62: {  	s0 =	rddreg [dreg:$0x0];
	s2 =	stileid.u32  }
0x63: {  	s1 =	rddreg [dreg:$0x1];
	p0 =	sne.s32 s2, $0x0  }
0x64: {  	s3 =	rddreg [dreg:$0x2];
	[bflag:$0x3] =	sbarrier.arrive $0xFFFF;
	s2 =	simm.s32 @!p0 $0x1C01  }
0x65: {  	[timem:s3], [sflag:s2] =	dma.local @!p0 [hbm:s0], s1  }
0x66: {  	s0 =	simm.s32 @!p0 $0x1  }
0x67: {  	_ =	swait.ge @!p0 [sflag:s0], s1  }
0x68: {  	s1 =	ssub.s32 @!p0 $0x0, s1;
	[sflag:s0] =	ssyncset.done @!p0 $0x0  }
0x69: {  	[sflag:s0] =	ssyncadd.s32 @!p0 s1  }
0x6a: {  	[bflag:$0x3] =	sbarrier.arrive $0xFFFF  }
0x6b: {  	_ =	shalt  }

</sc_bundles>
